<compile_context>
chip_gen: v7x
topology: tpu7x:2x2x1
jax: 0.10.2.dev20260603
libtpu: 0.0.44.dev20260713+nightly
codegen_flags: <defaults>
</compile_context>

<pallas_src>
import functools

import jax
import jax.numpy as jnp
from jax import lax
from jax.experimental import pallas as pl
from jax.experimental.pallas import tpu as pltpu
from jax.experimental.pallas import tpu_sc as plsc


@functools.lru_cache(maxsize=None)
def _make_lookup(n, v, d):
    info = plsc.get_sparse_core_info()
    nw = info.num_cores * info.num_subcores
    n_per_w = n // nw
    chunk = 256
    nbuf = 4
    n_chunks = n_per_w // chunk
    n_outer = n_chunks // nbuf

    mesh = plsc.VectorSubcoreMesh(core_axis_name="c", subcore_axis_name="s")

    @functools.partial(
        pl.kernel,
        mesh=mesh,
        out_type=jax.ShapeDtypeStruct((n, d), jnp.float32),
        compiler_params=pltpu.CompilerParams(use_tc_tiling_on_sc=False),
        scratch_types=[
            pltpu.VMEM((n_per_w,), jnp.int32),
            pltpu.VMEM((nbuf, chunk, d), jnp.float32),
            pltpu.SemaphoreType.DMA,
            pltpu.SemaphoreType.DMA,
        ],
    )
    def lookup(idx_hbm, table_hbm, out_hbm, idx_v, rows_v, gsem, wsem):
        wid = lax.axis_index("s") * info.num_cores + lax.axis_index("c")
        base = wid * n_per_w

        pltpu.sync_copy(idx_hbm.at[pl.ds(base, n_per_w)], idx_v)

        def gather_copy(g, b):
            return pltpu.make_async_copy(
                table_hbm.at[idx_v.at[pl.ds(g * chunk, chunk)]],
                rows_v.at[b], gsem)

        def wb_copy(g, b):
            return pltpu.make_async_copy(
                rows_v.at[b], out_hbm.at[pl.ds(base + g * chunk, chunk)],
                wsem)

        for b in range(nbuf):
            gather_copy(b, b).start()

        def outer(k, carry):
            for b in range(nbuf):
                g = k * nbuf + b
                gather_copy(g, b).wait()
                wb_copy(g, b).start()
                wb_copy(g, b).wait()

                @pl.when(g + nbuf < n_chunks)
                def _():
                    gather_copy(g + nbuf, b).start()
            return carry

        lax.fori_loop(0, n_outer, outer, 0)

    return lookup


def kernel(x, embedding):
    b, t = x.shape
    flat_x = x.reshape(-1).astype(jnp.int32)
    out = _make_lookup(b * t, embedding.shape[0], embedding.shape[1])(
        flat_x, embedding)
    return out.reshape(b, t, embedding.shape[1])

# --- scband reference (transcript-rebuilt; emitter-appended) ---
"""Pipeline reference for scband-embedding-32856499814989 (READ-ONLY COPY).

The authoritative reference and input builder live on the scoring server;
editing this copy changes nothing except your own understanding.
"""

import jax, jax.numpy as jnp
import numpy as np

NUM_EMBEDDINGS = 1000000
EMBEDDING_DIM = 64
B, T = 4096, 200


def setup_inputs(seed: int = 0) -> dict:
    key = jax.random.key(seed)
    k_idx, k_emb = jax.random.split(key)
    x = jax.random.randint(k_idx, (B, T), 0, NUM_EMBEDDINGS, dtype=jnp.int64 if jax.config.read('jax_enable_x64') else jnp.int32)
    # trunc_normal_(mean=0, std=1, a=-3, b=3)
    embedding = jax.random.truncated_normal(k_emb, -3.0, 3.0, (NUM_EMBEDDINGS, EMBEDDING_DIM), dtype=jnp.float32)
    return {"x": x, "embedding": embedding}


def reference(x, embedding):
    b, t = x.shape
    flat_x = x.reshape(-1)  # 'b t -> (b t)'
    flat_y = jnp.take(embedding, flat_x, axis=0)  # index_select
    return flat_y.reshape(b, t, embedding.shape[-1])  # '(b t) d -> b t d'

if __name__ == "__main__":
    import jax
    _d = setup_inputs()
    print(jax.jit(kernel)(*tuple(_d.values())))

</pallas_src>

<mosaic_0001>
#map = affine_map<(d0, d1) -> (0)>
#map1 = affine_map<(d0, d1) -> (0, 0)>
module attributes {stable_mosaic.version = 14 : i64} {
  func.func @lookup(%arg0: i32, %arg1: i32, %arg2: memref<819200xi32, #tpu.memory_space<hbm>>, %arg3: memref<1000000x64xf32, #tpu.memory_space<hbm>>, %arg4: memref<819200x64xf32, #tpu.memory_space<hbm>>, %arg5: memref<25600xi32, #tpu.memory_space<vmem>>, %arg6: memref<4x256x64xf32, #tpu.memory_space<vmem>>, %arg7: memref<!tpu.dma_semaphore, #tpu.memory_space<semaphore_mem>>, %arg8: memref<!tpu.dma_semaphore, #tpu.memory_space<semaphore_mem>>) attributes {dimension_semantics = [#tpu.dimension_semantics<core_parallel>, #tpu.dimension_semantics<subcore_parallel>], iteration_bounds = array<i64: 2, 16>, scalar_prefetch = 0 : i64, scratch_operands = 4 : i64, tpu.core_type = #tpu.core_type<sc_vector_subcore>, window_params = [{transform_indices = #map}, {transform_indices = #map1}, {transform_indices = #map1}]} {
    %mul3A = arith.constant 2 : i32
    %mul3A_0 = arith.muli %arg1, %mul3A : i32
    %add3A = arith.addi %mul3A_0, %arg0 : i32
    %mul3A_1 = arith.constant 25600 : i32
    %mul3A_2 = arith.muli %add3A, %mul3A_1 : i32
    "tpu.region"() ({
      %run_scoped3A = tpu.sem_alloc : memref<!tpu.dma_semaphore, #tpu.memory_space<semaphore_mem>>
      %dma_start3A_47 = tpu.memref_slice %arg2[%mul3A_2] : memref<819200xi32, #tpu.memory_space<hbm>> -> memref<25600xi32, #tpu.memory_space<hbm>>
      %dma_start3A_48 = tpu.memref_slice %arg2[%mul3A_2] : memref<819200xi32, #tpu.memory_space<hbm>> -> memref<25600xi32, #tpu.memory_space<hbm>>
      tpu.enqueue_dma source(%dma_start3A_48 : memref<25600xi32, #tpu.memory_space<hbm>>) target(%arg5 : memref<25600xi32, #tpu.memory_space<vmem>>) target_semaphore(%run_scoped3A : memref<!tpu.dma_semaphore, #tpu.memory_space<semaphore_mem>>)
      %dma_wait3A = tpu.memref_slice %arg2[%mul3A_2] : memref<819200xi32, #tpu.memory_space<hbm>> -> memref<25600xi32, #tpu.memory_space<hbm>>
      %dma_wait3A_49 = tpu.memref_slice %arg2[%mul3A_2] : memref<819200xi32, #tpu.memory_space<hbm>> -> memref<25600xi32, #tpu.memory_space<hbm>>
      tpu.wait_dma2 semaphore(%run_scoped3A : memref<!tpu.dma_semaphore, #tpu.memory_space<semaphore_mem>>) src(%dma_wait3A_49 : memref<25600xi32, #tpu.memory_space<hbm>>) dst(%arg5 : memref<25600xi32, #tpu.memory_space<vmem>>)
      tpu.yield
    }) : () -> ()
    %dma_start3A = arith.constant 0 : i32
    %dma_start3A_3 = arith.constant 0 : i32
    %dma_start3A_4 = arith.constant 0 : i32
    %dma_start3A_5 = tpu.memref_slice %arg6[%dma_start3A, %dma_start3A_3, %dma_start3A_4] : memref<4x256x64xf32, #tpu.memory_space<vmem>> -> memref<1x256x64xf32, #tpu.memory_space<vmem>>
    %dma_start3A_6 = tpu.memref_squeeze %dma_start3A_5 : memref<1x256x64xf32, #tpu.memory_space<vmem>> -> memref<256x64xf32, #tpu.memory_space<vmem>>
    %dma_start3A_7 = arith.constant 0 : i32
    %dma_start3A_8 = tpu.memref_slice %arg5[%dma_start3A_7] : memref<25600xi32, #tpu.memory_space<vmem>> -> memref<256xi32, #tpu.memory_space<vmem>>
    %dma_start3A_9 = arith.constant 0 : i32
    %dma_start3A_10 = arith.constant 0 : i32
    %dma_start3A_11 = tpu.memref_slice %arg3[%dma_start3A_9, %dma_start3A_10] : memref<1000000x64xf32, #tpu.memory_space<hbm>> -> memref<1000000x64xf32, #tpu.memory_space<hbm>>
    tpu.enqueue_indirect_dma source(%dma_start3A_11 : memref<1000000x64xf32, #tpu.memory_space<hbm>>) target(%dma_start3A_6 : memref<256x64xf32, #tpu.memory_space<vmem>>) offsets(%dma_start3A_8 : memref<256xi32, #tpu.memory_space<vmem>>) semaphore(%arg7 : memref<!tpu.dma_semaphore, #tpu.memory_space<semaphore_mem>>)
    %dma_start3A_12 = arith.constant 1 : i32
    %dma_start3A_13 = arith.constant 0 : i32
    %dma_start3A_14 = arith.constant 0 : i32
    %dma_start3A_15 = tpu.memref_slice %arg6[%dma_start3A_12, %dma_start3A_13, %dma_start3A_14] : memref<4x256x64xf32, #tpu.memory_space<vmem>> -> memref<1x256x64xf32, #tpu.memory_space<vmem>>
    %dma_start3A_16 = tpu.memref_squeeze %dma_start3A_15 : memref<1x256x64xf32, #tpu.memory_space<vmem>> -> memref<256x64xf32, #tpu.memory_space<vmem>>
    %dma_start3A_17 = arith.constant 256 : i32
    %dma_start3A_18 = tpu.memref_slice %arg5[%dma_start3A_17] : memref<25600xi32, #tpu.memory_space<vmem>> -> memref<256xi32, #tpu.memory_space<vmem>>
    %dma_start3A_19 = arith.constant 0 : i32
    %dma_start3A_20 = arith.constant 0 : i32
    %dma_start3A_21 = tpu.memref_slice %arg3[%dma_start3A_19, %dma_start3A_20] : memref<1000000x64xf32, #tpu.memory_space<hbm>> -> memref<1000000x64xf32, #tpu.memory_space<hbm>>
    tpu.enqueue_indirect_dma source(%dma_start3A_21 : memref<1000000x64xf32, #tpu.memory_space<hbm>>) target(%dma_start3A_16 : memref<256x64xf32, #tpu.memory_space<vmem>>) offsets(%dma_start3A_18 : memref<256xi32, #tpu.memory_space<vmem>>) semaphore(%arg7 : memref<!tpu.dma_semaphore, #tpu.memory_space<semaphore_mem>>)
    %dma_start3A_22 = arith.constant 2 : i32
    %dma_start3A_23 = arith.constant 0 : i32
    %dma_start3A_24 = arith.constant 0 : i32
    %dma_start3A_25 = tpu.memref_slice %arg6[%dma_start3A_22, %dma_start3A_23, %dma_start3A_24] : memref<4x256x64xf32, #tpu.memory_space<vmem>> -> memref<1x256x64xf32, #tpu.memory_space<vmem>>
    %dma_start3A_26 = tpu.memref_squeeze %dma_start3A_25 : memref<1x256x64xf32, #tpu.memory_space<vmem>> -> memref<256x64xf32, #tpu.memory_space<vmem>>
    %dma_start3A_27 = arith.constant 512 : i32
    %dma_start3A_28 = tpu.memref_slice %arg5[%dma_start3A_27] : memref<25600xi32, #tpu.memory_space<vmem>> -> memref<256xi32, #tpu.memory_space<vmem>>
    %dma_start3A_29 = arith.constant 0 : i32
    %dma_start3A_30 = arith.constant 0 : i32
    %dma_start3A_31 = tpu.memref_slice %arg3[%dma_start3A_29, %dma_start3A_30] : memref<1000000x64xf32, #tpu.memory_space<hbm>> -> memref<1000000x64xf32, #tpu.memory_space<hbm>>
    tpu.enqueue_indirect_dma source(%dma_start3A_31 : memref<1000000x64xf32, #tpu.memory_space<hbm>>) target(%dma_start3A_26 : memref<256x64xf32, #tpu.memory_space<vmem>>) offsets(%dma_start3A_28 : memref<256xi32, #tpu.memory_space<vmem>>) semaphore(%arg7 : memref<!tpu.dma_semaphore, #tpu.memory_space<semaphore_mem>>)
    %dma_start3A_32 = arith.constant 3 : i32
    %dma_start3A_33 = arith.constant 0 : i32
    %dma_start3A_34 = arith.constant 0 : i32
    %dma_start3A_35 = tpu.memref_slice %arg6[%dma_start3A_32, %dma_start3A_33, %dma_start3A_34] : memref<4x256x64xf32, #tpu.memory_space<vmem>> -> memref<1x256x64xf32, #tpu.memory_space<vmem>>
    %dma_start3A_36 = tpu.memref_squeeze %dma_start3A_35 : memref<1x256x64xf32, #tpu.memory_space<vmem>> -> memref<256x64xf32, #tpu.memory_space<vmem>>
    %dma_start3A_37 = arith.constant 768 : i32
    %dma_start3A_38 = tpu.memref_slice %arg5[%dma_start3A_37] : memref<25600xi32, #tpu.memory_space<vmem>> -> memref<256xi32, #tpu.memory_space<vmem>>
    %dma_start3A_39 = arith.constant 0 : i32
    %dma_start3A_40 = arith.constant 0 : i32
    %dma_start3A_41 = tpu.memref_slice %arg3[%dma_start3A_39, %dma_start3A_40] : memref<1000000x64xf32, #tpu.memory_space<hbm>> -> memref<1000000x64xf32, #tpu.memory_space<hbm>>
    tpu.enqueue_indirect_dma source(%dma_start3A_41 : memref<1000000x64xf32, #tpu.memory_space<hbm>>) target(%dma_start3A_36 : memref<256x64xf32, #tpu.memory_space<vmem>>) offsets(%dma_start3A_38 : memref<256xi32, #tpu.memory_space<vmem>>) semaphore(%arg7 : memref<!tpu.dma_semaphore, #tpu.memory_space<semaphore_mem>>)
    %scan3A = arith.constant 0 : i32
    %scan3A_42 = arith.constant 0 : i32
    %scan3A_43 = arith.constant 25 : i32
    %scan3A_44 = arith.addi %scan3A_42, %scan3A_43 : i32
    %scan3A_45 = arith.constant 1 : i32
    scf.for %scan3A_47 = %scan3A_42 to %scan3A_44 step %scan3A_45  : i32 {
      %mul3A_48 = arith.constant 4 : i32
      %mul3A_49 = arith.muli %scan3A_47, %mul3A_48 : i32
      %add3A_50 = arith.constant 0 : i32
      %add3A_51 = arith.addi %mul3A_49, %add3A_50 : i32
      %mul3A_52 = arith.constant 256 : i32
      %mul3A_53 = arith.muli %add3A_51, %mul3A_52 : i32
      %dma_wait3A = arith.constant 0 : i32
      %dma_wait3A_54 = arith.constant 0 : i32
      %dma_wait3A_55 = arith.constant 0 : i32
      %dma_wait3A_56 = tpu.memref_slice %arg6[%dma_wait3A, %dma_wait3A_54, %dma_wait3A_55] : memref<4x256x64xf32, #tpu.memory_space<vmem>> -> memref<1x256x64xf32, #tpu.memory_space<vmem>>
      %dma_wait3A_57 = tpu.memref_squeeze %dma_wait3A_56 : memref<1x256x64xf32, #tpu.memory_space<vmem>> -> memref<256x64xf32, #tpu.memory_space<vmem>>
      %dma_wait3A_58 = tpu.memref_slice %arg5[%mul3A_53] : memref<25600xi32, #tpu.memory_space<vmem>> -> memref<256xi32, #tpu.memory_space<vmem>>
      %dma_wait3A_59 = arith.constant 0 : i32
      %dma_wait3A_60 = arith.constant 0 : i32
      %dma_wait3A_61 = tpu.memref_slice %arg3[%dma_wait3A_59, %dma_wait3A_60] : memref<1000000x64xf32, #tpu.memory_space<hbm>> -> memref<1000000x64xf32, #tpu.memory_space<hbm>>
      tpu.wait_indirect_dma semaphore(%arg7 : memref<!tpu.dma_semaphore, #tpu.memory_space<semaphore_mem>>) src(%dma_wait3A_61 : memref<1000000x64xf32, #tpu.memory_space<hbm>>) dst(%dma_wait3A_57 : memref<256x64xf32, #tpu.memory_space<vmem>>)
      %mul3A_62 = arith.constant 256 : i32
      %mul3A_63 = arith.muli %add3A_51, %mul3A_62 : i32
      %add3A_64 = arith.addi %mul3A_2, %mul3A_63 : i32
      %dma_start3A_65 = arith.constant 0 : i32
      %dma_start3A_66 = arith.constant 0 : i32
      %dma_start3A_67 = arith.constant 0 : i32
      %dma_start3A_68 = tpu.memref_slice %arg6[%dma_start3A_65, %dma_start3A_66, %dma_start3A_67] : memref<4x256x64xf32, #tpu.memory_space<vmem>> -> memref<1x256x64xf32, #tpu.memory_space<vmem>>
      %dma_start3A_69 = tpu.memref_squeeze %dma_start3A_68 : memref<1x256x64xf32, #tpu.memory_space<vmem>> -> memref<256x64xf32, #tpu.memory_space<vmem>>
      %dma_start3A_70 = arith.constant 0 : i32
      %dma_start3A_71 = tpu.memref_slice %arg4[%add3A_64, %dma_start3A_70] : memref<819200x64xf32, #tpu.memory_space<hbm>> -> memref<256x64xf32, #tpu.memory_space<hbm>>
      %dma_start3A_72 = arith.constant 0 : i32
      %dma_start3A_73 = tpu.memref_slice %arg4[%add3A_64, %dma_start3A_72] : memref<819200x64xf32, #tpu.memory_space<hbm>> -> memref<256x64xf32, #tpu.memory_space<hbm>>
      %dma_start3A_74 = arith.constant 0 : i32
      %dma_start3A_75 = arith.constant 0 : i32
      %dma_start3A_76 = tpu.memref_slice %arg6[%dma_start3A_65, %dma_start3A_74, %dma_start3A_75] : memref<4x256x64xf32, #tpu.memory_space<vmem>> -> memref<1x256x64xf32, #tpu.memory_space<vmem>>
      %dma_start3A_77 = tpu.memref_squeeze %dma_start3A_76 : memref<1x256x64xf32, #tpu.memory_space<vmem>> -> memref<256x64xf32, #tpu.memory_space<vmem>>
      tpu.enqueue_dma source(%dma_start3A_77 : memref<256x64xf32, #tpu.memory_space<vmem>>) target(%dma_start3A_73 : memref<256x64xf32, #tpu.memory_space<hbm>>) target_semaphore(%arg8 : memref<!tpu.dma_semaphore, #tpu.memory_space<semaphore_mem>>)
      %mul3A_78 = arith.constant 256 : i32
      %mul3A_79 = arith.muli %add3A_51, %mul3A_78 : i32
      %add3A_80 = arith.addi %mul3A_2, %mul3A_79 : i32
      %dma_wait3A_81 = arith.constant 0 : i32
      %dma_wait3A_82 = arith.constant 0 : i32
      %dma_wait3A_83 = arith.constant 0 : i32
      %dma_wait3A_84 = tpu.memref_slice %arg6[%dma_wait3A_81, %dma_wait3A_82, %dma_wait3A_83] : memref<4x256x64xf32, #tpu.memory_space<vmem>> -> memref<1x256x64xf32, #tpu.memory_space<vmem>>
      %dma_wait3A_85 = tpu.memref_squeeze %dma_wait3A_84 : memref<1x256x64xf32, #tpu.memory_space<vmem>> -> memref<256x64xf32, #tpu.memory_space<vmem>>
      %dma_wait3A_86 = arith.constant 0 : i32
      %dma_wait3A_87 = tpu.memref_slice %arg4[%add3A_80, %dma_wait3A_86] : memref<819200x64xf32, #tpu.memory_space<hbm>> -> memref<256x64xf32, #tpu.memory_space<hbm>>
      %dma_wait3A_88 = arith.constant 0 : i32
      %dma_wait3A_89 = tpu.memref_slice %arg4[%add3A_80, %dma_wait3A_88] : memref<819200x64xf32, #tpu.memory_space<hbm>> -> memref<256x64xf32, #tpu.memory_space<hbm>>
      %dma_wait3A_90 = arith.constant 0 : i32
      %dma_wait3A_91 = arith.constant 0 : i32
      %dma_wait3A_92 = tpu.memref_slice %arg6[%dma_wait3A_81, %dma_wait3A_90, %dma_wait3A_91] : memref<4x256x64xf32, #tpu.memory_space<vmem>> -> memref<1x256x64xf32, #tpu.memory_space<vmem>>
      %dma_wait3A_93 = tpu.memref_squeeze %dma_wait3A_92 : memref<1x256x64xf32, #tpu.memory_space<vmem>> -> memref<256x64xf32, #tpu.memory_space<vmem>>
      tpu.wait_dma2 semaphore(%arg8 : memref<!tpu.dma_semaphore, #tpu.memory_space<semaphore_mem>>) src(%dma_wait3A_93 : memref<256x64xf32, #tpu.memory_space<vmem>>) dst(%dma_wait3A_89 : memref<256x64xf32, #tpu.memory_space<hbm>>)
      %add3A_94 = arith.constant 4 : i32
      %add3A_95 = arith.addi %add3A_51, %add3A_94 : i32
      %lt3A = arith.constant 100 : i32
      %lt3A_96 = arith.cmpi slt, %add3A_95, %lt3A : i32
      %convert_element_type3A = arith.extui %lt3A_96 : i1 to i32
      %cond3A = arith.constant 0 : i32
      %cond3A_97 = arith.cmpi ne, %convert_element_type3A, %cond3A : i32
      scf.if %cond3A_97 {
        %add3A_260 = arith.constant 4 : i32
        %add3A_261 = arith.addi %add3A_51, %add3A_260 : i32
        %mul3A_262 = arith.constant 256 : i32
        %mul3A_263 = arith.muli %add3A_261, %mul3A_262 : i32
        %dma_start3A_264 = arith.constant 0 : i32
        %dma_start3A_265 = arith.constant 0 : i32
        %dma_start3A_266 = arith.constant 0 : i32
        %dma_start3A_267 = tpu.memref_slice %arg6[%dma_start3A_264, %dma_start3A_265, %dma_start3A_266] : memref<4x256x64xf32, #tpu.memory_space<vmem>> -> memref<1x256x64xf32, #tpu.memory_space<vmem>>
        %dma_start3A_268 = tpu.memref_squeeze %dma_start3A_267 : memref<1x256x64xf32, #tpu.memory_space<vmem>> -> memref<256x64xf32, #tpu.memory_space<vmem>>
        %dma_start3A_269 = tpu.memref_slice %arg5[%mul3A_263] : memref<25600xi32, #tpu.memory_space<vmem>> -> memref<256xi32, #tpu.memory_space<vmem>>
        %dma_start3A_270 = arith.constant 0 : i32
        %dma_start3A_271 = arith.constant 0 : i32
        %dma_start3A_272 = tpu.memref_slice %arg3[%dma_start3A_270, %dma_start3A_271] : memref<1000000x64xf32, #tpu.memory_space<hbm>> -> memref<1000000x64xf32, #tpu.memory_space<hbm>>
        tpu.enqueue_indirect_dma source(%dma_start3A_272 : memref<1000000x64xf32, #tpu.memory_space<hbm>>) target(%dma_start3A_268 : memref<256x64xf32, #tpu.memory_space<vmem>>) offsets(%dma_start3A_269 : memref<256xi32, #tpu.memory_space<vmem>>) semaphore(%arg7 : memref<!tpu.dma_semaphore, #tpu.memory_space<semaphore_mem>>)
      } else {
      }
      %mul3A_98 = arith.constant 4 : i32
      %mul3A_99 = arith.muli %scan3A_47, %mul3A_98 : i32
      %add3A_100 = arith.constant 1 : i32
      %add3A_101 = arith.addi %mul3A_99, %add3A_100 : i32
      %mul3A_102 = arith.constant 256 : i32
      %mul3A_103 = arith.muli %add3A_101, %mul3A_102 : i32
      %dma_wait3A_104 = arith.constant 1 : i32
      %dma_wait3A_105 = arith.constant 0 : i32
      %dma_wait3A_106 = arith.constant 0 : i32
      %dma_wait3A_107 = tpu.memref_slice %arg6[%dma_wait3A_104, %dma_wait3A_105, %dma_wait3A_106] : memref<4x256x64xf32, #tpu.memory_space<vmem>> -> memref<1x256x64xf32, #tpu.memory_space<vmem>>
      %dma_wait3A_108 = tpu.memref_squeeze %dma_wait3A_107 : memref<1x256x64xf32, #tpu.memory_space<vmem>> -> memref<256x64xf32, #tpu.memory_space<vmem>>
      %dma_wait3A_109 = tpu.memref_slice %arg5[%mul3A_103] : memref<25600xi32, #tpu.memory_space<vmem>> -> memref<256xi32, #tpu.memory_space<vmem>>
      %dma_wait3A_110 = arith.constant 0 : i32
      %dma_wait3A_111 = arith.constant 0 : i32
      %dma_wait3A_112 = tpu.memref_slice %arg3[%dma_wait3A_110, %dma_wait3A_111] : memref<1000000x64xf32, #tpu.memory_space<hbm>> -> memref<1000000x64xf32, #tpu.memory_space<hbm>>
      tpu.wait_indirect_dma semaphore(%arg7 : memref<!tpu.dma_semaphore, #tpu.memory_space<semaphore_mem>>) src(%dma_wait3A_112 : memref<1000000x64xf32, #tpu.memory_space<hbm>>) dst(%dma_wait3A_108 : memref<256x64xf32, #tpu.memory_space<vmem>>)
      %mul3A_113 = arith.constant 256 : i32
      %mul3A_114 = arith.muli %add3A_101, %mul3A_113 : i32
      %add3A_115 = arith.addi %mul3A_2, %mul3A_114 : i32
      %dma_start3A_116 = arith.constant 1 : i32
      %dma_start3A_117 = arith.constant 0 : i32
      %dma_start3A_118 = arith.constant 0 : i32
      %dma_start3A_119 = tpu.memref_slice %arg6[%dma_start3A_116, %dma_start3A_117, %dma_start3A_118] : memref<4x256x64xf32, #tpu.memory_space<vmem>> -> memref<1x256x64xf32, #tpu.memory_space<vmem>>
      %dma_start3A_120 = tpu.memref_squeeze %dma_start3A_119 : memref<1x256x64xf32, #tpu.memory_space<vmem>> -> memref<256x64xf32, #tpu.memory_space<vmem>>
      %dma_start3A_121 = arith.constant 0 : i32
      %dma_start3A_122 = tpu.memref_slice %arg4[%add3A_115, %dma_start3A_121] : memref<819200x64xf32, #tpu.memory_space<hbm>> -> memref<256x64xf32, #tpu.memory_space<hbm>>
      %dma_start3A_123 = arith.constant 0 : i32
      %dma_start3A_124 = tpu.memref_slice %arg4[%add3A_115, %dma_start3A_123] : memref<819200x64xf32, #tpu.memory_space<hbm>> -> memref<256x64xf32, #tpu.memory_space<hbm>>
      %dma_start3A_125 = arith.constant 0 : i32
      %dma_start3A_126 = arith.constant 0 : i32
      %dma_start3A_127 = tpu.memref_slice %arg6[%dma_start3A_116, %dma_start3A_125, %dma_start3A_126] : memref<4x256x64xf32, #tpu.memory_space<vmem>> -> memref<1x256x64xf32, #tpu.memory_space<vmem>>
      %dma_start3A_128 = tpu.memref_squeeze %dma_start3A_127 : memref<1x256x64xf32, #tpu.memory_space<vmem>> -> memref<256x64xf32, #tpu.memory_space<vmem>>
      tpu.enqueue_dma source(%dma_start3A_128 : memref<256x64xf32, #tpu.memory_space<vmem>>) target(%dma_start3A_124 : memref<256x64xf32, #tpu.memory_space<hbm>>) target_semaphore(%arg8 : memref<!tpu.dma_semaphore, #tpu.memory_space<semaphore_mem>>)
      %mul3A_129 = arith.constant 256 : i32
      %mul3A_130 = arith.muli %add3A_101, %mul3A_129 : i32
      %add3A_131 = arith.addi %mul3A_2, %mul3A_130 : i32
      %dma_wait3A_132 = arith.constant 1 : i32
      %dma_wait3A_133 = arith.constant 0 : i32
      %dma_wait3A_134 = arith.constant 0 : i32
      %dma_wait3A_135 = tpu.memref_slice %arg6[%dma_wait3A_132, %dma_wait3A_133, %dma_wait3A_134] : memref<4x256x64xf32, #tpu.memory_space<vmem>> -> memref<1x256x64xf32, #tpu.memory_space<vmem>>
      %dma_wait3A_136 = tpu.memref_squeeze %dma_wait3A_135 : memref<1x256x64xf32, #tpu.memory_space<vmem>> -> memref<256x64xf32, #tpu.memory_space<vmem>>
      %dma_wait3A_137 = arith.constant 0 : i32
      %dma_wait3A_138 = tpu.memref_slice %arg4[%add3A_131, %dma_wait3A_137] : memref<819200x64xf32, #tpu.memory_space<hbm>> -> memref<256x64xf32, #tpu.memory_space<hbm>>
      %dma_wait3A_139 = arith.constant 0 : i32
      %dma_wait3A_140 = tpu.memref_slice %arg4[%add3A_131, %dma_wait3A_139] : memref<819200x64xf32, #tpu.memory_space<hbm>> -> memref<256x64xf32, #tpu.memory_space<hbm>>
      %dma_wait3A_141 = arith.constant 0 : i32
      %dma_wait3A_142 = arith.constant 0 : i32
      %dma_wait3A_143 = tpu.memref_slice %arg6[%dma_wait3A_132, %dma_wait3A_141, %dma_wait3A_142] : memref<4x256x64xf32, #tpu.memory_space<vmem>> -> memref<1x256x64xf32, #tpu.memory_space<vmem>>
      %dma_wait3A_144 = tpu.memref_squeeze %dma_wait3A_143 : memref<1x256x64xf32, #tpu.memory_space<vmem>> -> memref<256x64xf32, #tpu.memory_space<vmem>>
      tpu.wait_dma2 semaphore(%arg8 : memref<!tpu.dma_semaphore, #tpu.memory_space<semaphore_mem>>) src(%dma_wait3A_144 : memref<256x64xf32, #tpu.memory_space<vmem>>) dst(%dma_wait3A_140 : memref<256x64xf32, #tpu.memory_space<hbm>>)
      %add3A_145 = arith.constant 4 : i32
      %add3A_146 = arith.addi %add3A_101, %add3A_145 : i32
      %lt3A_147 = arith.constant 100 : i32
      %lt3A_148 = arith.cmpi slt, %add3A_146, %lt3A_147 : i32
      %convert_element_type3A_149 = arith.extui %lt3A_148 : i1 to i32
      %cond3A_150 = arith.constant 0 : i32
      %cond3A_151 = arith.cmpi ne, %convert_element_type3A_149, %cond3A_150 : i32
      scf.if %cond3A_151 {
        %add3A_260 = arith.constant 4 : i32
        %add3A_261 = arith.addi %add3A_101, %add3A_260 : i32
        %mul3A_262 = arith.constant 256 : i32
        %mul3A_263 = arith.muli %add3A_261, %mul3A_262 : i32
        %dma_start3A_264 = arith.constant 1 : i32
        %dma_start3A_265 = arith.constant 0 : i32
        %dma_start3A_266 = arith.constant 0 : i32
        %dma_start3A_267 = tpu.memref_slice %arg6[%dma_start3A_264, %dma_start3A_265, %dma_start3A_266] : memref<4x256x64xf32, #tpu.memory_space<vmem>> -> memref<1x256x64xf32, #tpu.memory_space<vmem>>
        %dma_start3A_268 = tpu.memref_squeeze %dma_start3A_267 : memref<1x256x64xf32, #tpu.memory_space<vmem>> -> memref<256x64xf32, #tpu.memory_space<vmem>>
        %dma_start3A_269 = tpu.memref_slice %arg5[%mul3A_263] : memref<25600xi32, #tpu.memory_space<vmem>> -> memref<256xi32, #tpu.memory_space<vmem>>
        %dma_start3A_270 = arith.constant 0 : i32
        %dma_start3A_271 = arith.constant 0 : i32
        %dma_start3A_272 = tpu.memref_slice %arg3[%dma_start3A_270, %dma_start3A_271] : memref<1000000x64xf32, #tpu.memory_space<hbm>> -> memref<1000000x64xf32, #tpu.memory_space<hbm>>
        tpu.enqueue_indirect_dma source(%dma_start3A_272 : memref<1000000x64xf32, #tpu.memory_space<hbm>>) target(%dma_start3A_268 : memref<256x64xf32, #tpu.memory_space<vmem>>) offsets(%dma_start3A_269 : memref<256xi32, #tpu.memory_space<vmem>>) semaphore(%arg7 : memref<!tpu.dma_semaphore, #tpu.memory_space<semaphore_mem>>)
      } else {
      }
      %mul3A_152 = arith.constant 4 : i32
      %mul3A_153 = arith.muli %scan3A_47, %mul3A_152 : i32
      %add3A_154 = arith.constant 2 : i32
      %add3A_155 = arith.addi %mul3A_153, %add3A_154 : i32
      %mul3A_156 = arith.constant 256 : i32
      %mul3A_157 = arith.muli %add3A_155, %mul3A_156 : i32
      %dma_wait3A_158 = arith.constant 2 : i32
      %dma_wait3A_159 = arith.constant 0 : i32
      %dma_wait3A_160 = arith.constant 0 : i32
      %dma_wait3A_161 = tpu.memref_slice %arg6[%dma_wait3A_158, %dma_wait3A_159, %dma_wait3A_160] : memref<4x256x64xf32, #tpu.memory_space<vmem>> -> memref<1x256x64xf32, #tpu.memory_space<vmem>>
      %dma_wait3A_162 = tpu.memref_squeeze %dma_wait3A_161 : memref<1x256x64xf32, #tpu.memory_space<vmem>> -> memref<256x64xf32, #tpu.memory_space<vmem>>
      %dma_wait3A_163 = tpu.memref_slice %arg5[%mul3A_157] : memref<25600xi32, #tpu.memory_space<vmem>> -> memref<256xi32, #tpu.memory_space<vmem>>
      %dma_wait3A_164 = arith.constant 0 : i32
      %dma_wait3A_165 = arith.constant 0 : i32
      %dma_wait3A_166 = tpu.memref_slice %arg3[%dma_wait3A_164, %dma_wait3A_165] : memref<1000000x64xf32, #tpu.memory_space<hbm>> -> memref<1000000x64xf32, #tpu.memory_space<hbm>>
      tpu.wait_indirect_dma semaphore(%arg7 : memref<!tpu.dma_semaphore, #tpu.memory_space<semaphore_mem>>) src(%dma_wait3A_166 : memref<1000000x64xf32, #tpu.memory_space<hbm>>) dst(%dma_wait3A_162 : memref<256x64xf32, #tpu.memory_space<vmem>>)
      %mul3A_167 = arith.constant 256 : i32
      %mul3A_168 = arith.muli %add3A_155, %mul3A_167 : i32
      %add3A_169 = arith.addi %mul3A_2, %mul3A_168 : i32
      %dma_start3A_170 = arith.constant 2 : i32
      %dma_start3A_171 = arith.constant 0 : i32
      %dma_start3A_172 = arith.constant 0 : i32
      %dma_start3A_173 = tpu.memref_slice %arg6[%dma_start3A_170, %dma_start3A_171, %dma_start3A_172] : memref<4x256x64xf32, #tpu.memory_space<vmem>> -> memref<1x256x64xf32, #tpu.memory_space<vmem>>
      %dma_start3A_174 = tpu.memref_squeeze %dma_start3A_173 : memref<1x256x64xf32, #tpu.memory_space<vmem>> -> memref<256x64xf32, #tpu.memory_space<vmem>>
      %dma_start3A_175 = arith.constant 0 : i32
      %dma_start3A_176 = tpu.memref_slice %arg4[%add3A_169, %dma_start3A_175] : memref<819200x64xf32, #tpu.memory_space<hbm>> -> memref<256x64xf32, #tpu.memory_space<hbm>>
      %dma_start3A_177 = arith.constant 0 : i32
      %dma_start3A_178 = tpu.memref_slice %arg4[%add3A_169, %dma_start3A_177] : memref<819200x64xf32, #tpu.memory_space<hbm>> -> memref<256x64xf32, #tpu.memory_space<hbm>>
      %dma_start3A_179 = arith.constant 0 : i32
      %dma_start3A_180 = arith.constant 0 : i32
      %dma_start3A_181 = tpu.memref_slice %arg6[%dma_start3A_170, %dma_start3A_179, %dma_start3A_180] : memref<4x256x64xf32, #tpu.memory_space<vmem>> -> memref<1x256x64xf32, #tpu.memory_space<vmem>>
      %dma_start3A_182 = tpu.memref_squeeze %dma_start3A_181 : memref<1x256x64xf32, #tpu.memory_space<vmem>> -> memref<256x64xf32, #tpu.memory_space<vmem>>
      tpu.enqueue_dma source(%dma_start3A_182 : memref<256x64xf32, #tpu.memory_space<vmem>>) target(%dma_start3A_178 : memref<256x64xf32, #tpu.memory_space<hbm>>) target_semaphore(%arg8 : memref<!tpu.dma_semaphore, #tpu.memory_space<semaphore_mem>>)
      %mul3A_183 = arith.constant 256 : i32
      %mul3A_184 = arith.muli %add3A_155, %mul3A_183 : i32
      %add3A_185 = arith.addi %mul3A_2, %mul3A_184 : i32
      %dma_wait3A_186 = arith.constant 2 : i32
      %dma_wait3A_187 = arith.constant 0 : i32
      %dma_wait3A_188 = arith.constant 0 : i32
      %dma_wait3A_189 = tpu.memref_slice %arg6[%dma_wait3A_186, %dma_wait3A_187, %dma_wait3A_188] : memref<4x256x64xf32, #tpu.memory_space<vmem>> -> memref<1x256x64xf32, #tpu.memory_space<vmem>>
      %dma_wait3A_190 = tpu.memref_squeeze %dma_wait3A_189 : memref<1x256x64xf32, #tpu.memory_space<vmem>> -> memref<256x64xf32, #tpu.memory_space<vmem>>
      %dma_wait3A_191 = arith.constant 0 : i32
      %dma_wait3A_192 = tpu.memref_slice %arg4[%add3A_185, %dma_wait3A_191] : memref<819200x64xf32, #tpu.memory_space<hbm>> -> memref<256x64xf32, #tpu.memory_space<hbm>>
      %dma_wait3A_193 = arith.constant 0 : i32
      %dma_wait3A_194 = tpu.memref_slice %arg4[%add3A_185, %dma_wait3A_193] : memref<819200x64xf32, #tpu.memory_space<hbm>> -> memref<256x64xf32, #tpu.memory_space<hbm>>
      %dma_wait3A_195 = arith.constant 0 : i32
      %dma_wait3A_196 = arith.constant 0 : i32
      %dma_wait3A_197 = tpu.memref_slice %arg6[%dma_wait3A_186, %dma_wait3A_195, %dma_wait3A_196] : memref<4x256x64xf32, #tpu.memory_space<vmem>> -> memref<1x256x64xf32, #tpu.memory_space<vmem>>
      %dma_wait3A_198 = tpu.memref_squeeze %dma_wait3A_197 : memref<1x256x64xf32, #tpu.memory_space<vmem>> -> memref<256x64xf32, #tpu.memory_space<vmem>>
      tpu.wait_dma2 semaphore(%arg8 : memref<!tpu.dma_semaphore, #tpu.memory_space<semaphore_mem>>) src(%dma_wait3A_198 : memref<256x64xf32, #tpu.memory_space<vmem>>) dst(%dma_wait3A_194 : memref<256x64xf32, #tpu.memory_space<hbm>>)
      %add3A_199 = arith.constant 4 : i32
      %add3A_200 = arith.addi %add3A_155, %add3A_199 : i32
      %lt3A_201 = arith.constant 100 : i32
      %lt3A_202 = arith.cmpi slt, %add3A_200, %lt3A_201 : i32
      %convert_element_type3A_203 = arith.extui %lt3A_202 : i1 to i32
      %cond3A_204 = arith.constant 0 : i32
      %cond3A_205 = arith.cmpi ne, %convert_element_type3A_203, %cond3A_204 : i32
      scf.if %cond3A_205 {
        %add3A_260 = arith.constant 4 : i32
        %add3A_261 = arith.addi %add3A_155, %add3A_260 : i32
        %mul3A_262 = arith.constant 256 : i32
        %mul3A_263 = arith.muli %add3A_261, %mul3A_262 : i32
        %dma_start3A_264 = arith.constant 2 : i32
        %dma_start3A_265 = arith.constant 0 : i32
        %dma_start3A_266 = arith.constant 0 : i32
        %dma_start3A_267 = tpu.memref_slice %arg6[%dma_start3A_264, %dma_start3A_265, %dma_start3A_266] : memref<4x256x64xf32, #tpu.memory_space<vmem>> -> memref<1x256x64xf32, #tpu.memory_space<vmem>>
        %dma_start3A_268 = tpu.memref_squeeze %dma_start3A_267 : memref<1x256x64xf32, #tpu.memory_space<vmem>> -> memref<256x64xf32, #tpu.memory_space<vmem>>
        %dma_start3A_269 = tpu.memref_slice %arg5[%mul3A_263] : memref<25600xi32, #tpu.memory_space<vmem>> -> memref<256xi32, #tpu.memory_space<vmem>>
        %dma_start3A_270 = arith.constant 0 : i32
        %dma_start3A_271 = arith.constant 0 : i32
        %dma_start3A_272 = tpu.memref_slice %arg3[%dma_start3A_270, %dma_start3A_271] : memref<1000000x64xf32, #tpu.memory_space<hbm>> -> memref<1000000x64xf32, #tpu.memory_space<hbm>>
        tpu.enqueue_indirect_dma source(%dma_start3A_272 : memref<1000000x64xf32, #tpu.memory_space<hbm>>) target(%dma_start3A_268 : memref<256x64xf32, #tpu.memory_space<vmem>>) offsets(%dma_start3A_269 : memref<256xi32, #tpu.memory_space<vmem>>) semaphore(%arg7 : memref<!tpu.dma_semaphore, #tpu.memory_space<semaphore_mem>>)
      } else {
      }
      %mul3A_206 = arith.constant 4 : i32
      %mul3A_207 = arith.muli %scan3A_47, %mul3A_206 : i32
      %add3A_208 = arith.constant 3 : i32
      %add3A_209 = arith.addi %mul3A_207, %add3A_208 : i32
      %mul3A_210 = arith.constant 256 : i32
      %mul3A_211 = arith.muli %add3A_209, %mul3A_210 : i32
      %dma_wait3A_212 = arith.constant 3 : i32
      %dma_wait3A_213 = arith.constant 0 : i32
      %dma_wait3A_214 = arith.constant 0 : i32
      %dma_wait3A_215 = tpu.memref_slice %arg6[%dma_wait3A_212, %dma_wait3A_213, %dma_wait3A_214] : memref<4x256x64xf32, #tpu.memory_space<vmem>> -> memref<1x256x64xf32, #tpu.memory_space<vmem>>
      %dma_wait3A_216 = tpu.memref_squeeze %dma_wait3A_215 : memref<1x256x64xf32, #tpu.memory_space<vmem>> -> memref<256x64xf32, #tpu.memory_space<vmem>>
      %dma_wait3A_217 = tpu.memref_slice %arg5[%mul3A_211] : memref<25600xi32, #tpu.memory_space<vmem>> -> memref<256xi32, #tpu.memory_space<vmem>>
      %dma_wait3A_218 = arith.constant 0 : i32
      %dma_wait3A_219 = arith.constant 0 : i32
      %dma_wait3A_220 = tpu.memref_slice %arg3[%dma_wait3A_218, %dma_wait3A_219] : memref<1000000x64xf32, #tpu.memory_space<hbm>> -> memref<1000000x64xf32, #tpu.memory_space<hbm>>
      tpu.wait_indirect_dma semaphore(%arg7 : memref<!tpu.dma_semaphore, #tpu.memory_space<semaphore_mem>>) src(%dma_wait3A_220 : memref<1000000x64xf32, #tpu.memory_space<hbm>>) dst(%dma_wait3A_216 : memref<256x64xf32, #tpu.memory_space<vmem>>)
      %mul3A_221 = arith.constant 256 : i32
      %mul3A_222 = arith.muli %add3A_209, %mul3A_221 : i32
      %add3A_223 = arith.addi %mul3A_2, %mul3A_222 : i32
      %dma_start3A_224 = arith.constant 3 : i32
      %dma_start3A_225 = arith.constant 0 : i32
      %dma_start3A_226 = arith.constant 0 : i32
      %dma_start3A_227 = tpu.memref_slice %arg6[%dma_start3A_224, %dma_start3A_225, %dma_start3A_226] : memref<4x256x64xf32, #tpu.memory_space<vmem>> -> memref<1x256x64xf32, #tpu.memory_space<vmem>>
      %dma_start3A_228 = tpu.memref_squeeze %dma_start3A_227 : memref<1x256x64xf32, #tpu.memory_space<vmem>> -> memref<256x64xf32, #tpu.memory_space<vmem>>
      %dma_start3A_229 = arith.constant 0 : i32
      %dma_start3A_230 = tpu.memref_slice %arg4[%add3A_223, %dma_start3A_229] : memref<819200x64xf32, #tpu.memory_space<hbm>> -> memref<256x64xf32, #tpu.memory_space<hbm>>
      %dma_start3A_231 = arith.constant 0 : i32
      %dma_start3A_232 = tpu.memref_slice %arg4[%add3A_223, %dma_start3A_231] : memref<819200x64xf32, #tpu.memory_space<hbm>> -> memref<256x64xf32, #tpu.memory_space<hbm>>
      %dma_start3A_233 = arith.constant 0 : i32
      %dma_start3A_234 = arith.constant 0 : i32
      %dma_start3A_235 = tpu.memref_slice %arg6[%dma_start3A_224, %dma_start3A_233, %dma_start3A_234] : memref<4x256x64xf32, #tpu.memory_space<vmem>> -> memref<1x256x64xf32, #tpu.memory_space<vmem>>
      %dma_start3A_236 = tpu.memref_squeeze %dma_start3A_235 : memref<1x256x64xf32, #tpu.memory_space<vmem>> -> memref<256x64xf32, #tpu.memory_space<vmem>>
      tpu.enqueue_dma source(%dma_start3A_236 : memref<256x64xf32, #tpu.memory_space<vmem>>) target(%dma_start3A_232 : memref<256x64xf32, #tpu.memory_space<hbm>>) target_semaphore(%arg8 : memref<!tpu.dma_semaphore, #tpu.memory_space<semaphore_mem>>)
      %mul3A_237 = arith.constant 256 : i32
      %mul3A_238 = arith.muli %add3A_209, %mul3A_237 : i32
      %add3A_239 = arith.addi %mul3A_2, %mul3A_238 : i32
      %dma_wait3A_240 = arith.constant 3 : i32
      %dma_wait3A_241 = arith.constant 0 : i32
      %dma_wait3A_242 = arith.constant 0 : i32
      %dma_wait3A_243 = tpu.memref_slice %arg6[%dma_wait3A_240, %dma_wait3A_241, %dma_wait3A_242] : memref<4x256x64xf32, #tpu.memory_space<vmem>> -> memref<1x256x64xf32, #tpu.memory_space<vmem>>
      %dma_wait3A_244 = tpu.memref_squeeze %dma_wait3A_243 : memref<1x256x64xf32, #tpu.memory_space<vmem>> -> memref<256x64xf32, #tpu.memory_space<vmem>>
      %dma_wait3A_245 = arith.constant 0 : i32
      %dma_wait3A_246 = tpu.memref_slice %arg4[%add3A_239, %dma_wait3A_245] : memref<819200x64xf32, #tpu.memory_space<hbm>> -> memref<256x64xf32, #tpu.memory_space<hbm>>
      %dma_wait3A_247 = arith.constant 0 : i32
      %dma_wait3A_248 = tpu.memref_slice %arg4[%add3A_239, %dma_wait3A_247] : memref<819200x64xf32, #tpu.memory_space<hbm>> -> memref<256x64xf32, #tpu.memory_space<hbm>>
      %dma_wait3A_249 = arith.constant 0 : i32
      %dma_wait3A_250 = arith.constant 0 : i32
      %dma_wait3A_251 = tpu.memref_slice %arg6[%dma_wait3A_240, %dma_wait3A_249, %dma_wait3A_250] : memref<4x256x64xf32, #tpu.memory_space<vmem>> -> memref<1x256x64xf32, #tpu.memory_space<vmem>>
      %dma_wait3A_252 = tpu.memref_squeeze %dma_wait3A_251 : memref<1x256x64xf32, #tpu.memory_space<vmem>> -> memref<256x64xf32, #tpu.memory_space<vmem>>
      tpu.wait_dma2 semaphore(%arg8 : memref<!tpu.dma_semaphore, #tpu.memory_space<semaphore_mem>>) src(%dma_wait3A_252 : memref<256x64xf32, #tpu.memory_space<vmem>>) dst(%dma_wait3A_248 : memref<256x64xf32, #tpu.memory_space<hbm>>)
      %add3A_253 = arith.constant 4 : i32
      %add3A_254 = arith.addi %add3A_209, %add3A_253 : i32
      %lt3A_255 = arith.constant 100 : i32
      %lt3A_256 = arith.cmpi slt, %add3A_254, %lt3A_255 : i32
      %convert_element_type3A_257 = arith.extui %lt3A_256 : i1 to i32
      %cond3A_258 = arith.constant 0 : i32
      %cond3A_259 = arith.cmpi ne, %convert_element_type3A_257, %cond3A_258 : i32
      scf.if %cond3A_259 {
        %add3A_260 = arith.constant 4 : i32
        %add3A_261 = arith.addi %add3A_209, %add3A_260 : i32
        %mul3A_262 = arith.constant 256 : i32
        %mul3A_263 = arith.muli %add3A_261, %mul3A_262 : i32
        %dma_start3A_264 = arith.constant 3 : i32
        %dma_start3A_265 = arith.constant 0 : i32
        %dma_start3A_266 = arith.constant 0 : i32
        %dma_start3A_267 = tpu.memref_slice %arg6[%dma_start3A_264, %dma_start3A_265, %dma_start3A_266] : memref<4x256x64xf32, #tpu.memory_space<vmem>> -> memref<1x256x64xf32, #tpu.memory_space<vmem>>
        %dma_start3A_268 = tpu.memref_squeeze %dma_start3A_267 : memref<1x256x64xf32, #tpu.memory_space<vmem>> -> memref<256x64xf32, #tpu.memory_space<vmem>>
        %dma_start3A_269 = tpu.memref_slice %arg5[%mul3A_263] : memref<25600xi32, #tpu.memory_space<vmem>> -> memref<256xi32, #tpu.memory_space<vmem>>
        %dma_start3A_270 = arith.constant 0 : i32
        %dma_start3A_271 = arith.constant 0 : i32
        %dma_start3A_272 = tpu.memref_slice %arg3[%dma_start3A_270, %dma_start3A_271] : memref<1000000x64xf32, #tpu.memory_space<hbm>> -> memref<1000000x64xf32, #tpu.memory_space<hbm>>
        tpu.enqueue_indirect_dma source(%dma_start3A_272 : memref<1000000x64xf32, #tpu.memory_space<hbm>>) target(%dma_start3A_268 : memref<256x64xf32, #tpu.memory_space<vmem>>) offsets(%dma_start3A_269 : memref<256xi32, #tpu.memory_space<vmem>>) semaphore(%arg7 : memref<!tpu.dma_semaphore, #tpu.memory_space<semaphore_mem>>)
      } else {
      }
    }
    %scan3A_46 = arith.constant 25 : i32
    return
  }
}

</mosaic_0001>

<sc_bundles>
// kernel: kernel.3.cloned.1.call-start
scs
__scs_entry_jumppad:
0x0: {  	(pc) =	sbr.rel $0x88, $3  }
0x1: {  	(tag) =	ssettag $0x0;
	lr =	simm.s32 $0x1  }
0x2: {  	[smem:$0x3F9F] =	sst lr;
	_ =	strace $0xD0000000  }
0x3: {  	_ = 	snop  }
0x4: {  	_ = 	snop  }
0x5: {  	_ = 	snop  }
0x6: {  	_ = 	snop  }
0x7: {  	_ = 	snop  }
__scs_overlays_trampoline_lowered:
0x8: {  	[smem:$0x3FAE] =	sst s0  }
0x9: {  	[smem:$0x3FAF] =	sst s1  }
0xa: {  	[smem:$0x3FB0] =	sst s2  }
0xb: {  	[smem:$0x3FB1] =	sst s3  }
0xc: {  	[smem:$0x3FB2] =	sst s4  }
0xd: {  	[smem:$0x3FB3] =	sst s5  }
0xe: {  	[smem:$0x3FB4] =	sst s6  }
0xf: {  	[smem:$0x3FB5] =	sst s7  }
0x10: {  	[smem:$0x3FB6] =	sst s8  }
0x11: {  	[smem:$0x3FB7] =	sst s9;
	s0 =	simm.s32 @!p0 $0x0  }
0x12: {  	s1 =	sld [smem:$0x3F9D];
	s0 =	simm.s32 @p0 $0x1  }
0x13: {  	[smem:$0x3FB8] =	sst s0;
	s0 =	simm.s32 @!p1 $0x0  }
0x14: {  	s2 =	sld [smem:$0x3F9C];
	s0 =	simm.s32 @p1 $0x1  }
0x15: {  	[smem:$0x3FB9] =	sst s0;
	s0 =	simm.s32 @!p2 $0x0  }
0x16: {  	s3 =	sld [smem:$0x3FDB];
	s0 =	simm.s32 @p2 $0x1  }
0x17: {  	s4 =	simm.s32 $0x1BF5;
	[smem:$0x3FBB] =	sst s0  }
0x18: {  	s0 =	sld [smem:$0x3F9E];
	_ =	swait.ge [sflag:s4], $0x0  }
0x19: {  	s7 =	sld [smem:$0x3F9F]  }
0x1a: {  	s8 =	sadd.s32 $0xFFFFE003, lr  }
0x1b: {  	s9 =	sadd.s32 $0xFFFFFEF7, lr;
	s5 =	simm.s32 $0xFFFFFFFF;
	p2 =	slt.u32 s8, $0xFFFFF086  }
0x1c: {  	p1 =	slt.u32 s9, $0xF7A;
	s5 =	simm.s32 @!p2 $0x0  }
0x1d: {  	s5 =	simm.s32 @p1 $0x1;
	p0 =	seq.s32 s7, s2  }
0x1e: {  	s7 =	smul.u32 @!p0 $0xF7A, s2;
	p2 =	seq.s32 @!p0 s5, $0x0  }
0x1f: {  	s9 =	smul.u32 $0xF7A, s1;
	s8 =	simm.s32 @!p0 $0x1BF5;
	p2 =	por !p2, p0  }
0x20: {  	[sflag:s8] =	ssyncset.s32 @!p0 $0xFFFFF086;
	s6 =	sadd.s32 @!p0 s3, s7;
	s7 =	simm.s32 @!p0 $0x108  }
0x21: {  	s3 =	sadd.s32 s3, s9;
	s6 =	sadd.s32 @!p0 $0x88, s6;
	s7 =	simm.s32 @p2 $0x1082  }
0x22: {  	[simem:s7], [sflag:s8] =	dma.local @!p0 [hbm:s6], $0xF7A  }
0x23: {  	s9 =	sor.u32 $0xD0000000, s2;
	s6 =	simm.s32 $0x108;
	_ =	swait.ge @!p0 [sflag:s8], $0x0  }
0x24: {  	s3 =	sadd.s32 $0x88, s3;
	s6 =	simm.s32 @!p1 $0x1082;
	[sflag:s4] =	ssyncset.s32 $0xFFFFF086  }
0x25: {  	[simem:s6], [sflag:s4] =	dma.local [hbm:s3], $0xF7A  }
0x26: {  	[smem:$0x3F9F] =	sst s1;
	(tag) =	ssettag s2;
	_ =	strace s9  }
0x27: {  	s1 =	sld [smem:$0x3FAF]  }
0x28: {  	s2 =	sld [smem:$0x3FB0]  }
0x29: {  	s4 =	sld [smem:$0x3FB2]  }
0x2a: {  	p0 =	seq.s32 s5, $0x0;
	s5 =	sld [smem:$0x3FB3]  }
0x2b: {  	s6 =	sld [smem:$0x3FB4]  }
0x2c: {  	s7 =	sld [smem:$0x3FB5]  }
0x2d: {  	s3 =	simm.s32 $0x108;
	s8 =	sld [smem:$0x3FB6]  }
0x2e: {  	s3 =	simm.s32 @!p0 $0x1082;
	s9 =	sld [smem:$0x3FB7]  }
0x2f: {  	lr =	sadd.s32 s0, s3;
	s0 =	sld [smem:$0x3FAE]  }
0x30: {  	s3 =	sld [smem:$0x3FB1]  }
0x31: {  	[smem:$0x3FBA] =	sst s10  }
0x32: {  	s10 =	sld [smem:$0x3FB8];
	_ =	sdelay $0x3  }
0x33: {  	p0 =	seq.s32 s10, $0x1;
	s10 =	sld [smem:$0x3FBA];
	_ =	sdelay $0x3  }
0x34: {  	[smem:$0x3FBA] =	sst s10  }
0x35: {  	s10 =	sld [smem:$0x3FB9];
	_ =	sdelay $0x3  }
0x36: {  	p1 =	seq.s32 s10, $0x1;
	s10 =	sld [smem:$0x3FBA];
	_ =	sdelay $0x3  }
0x37: {  	[smem:$0x3FBA] =	sst s10  }
0x38: {  	s10 =	sld [smem:$0x3FBB]  }
0x39: {  	_ = 	snop;
	(pc) =	sbr.ind lr, $3  }
0x3a: {  	_ = 	snop  }
0x3b: {  	_ = 	snop  }
0x3c: {  	p2 =	seq.s32 s10, $0x1;
	s10 =	sld [smem:$0x3FBA]  }
0x3d: {  	_ =	shalt  }
0x3e: {  	_ =	shalt  }
0x3f: {  	_ =	shalt  }
0x40: {  	_ =	shalt  }
0x41: {  	_ =	shalt  }
0x42: {  	_ =	shalt  }
0x43: {  	_ =	shalt  }
0x44: {  	_ =	shalt  }
0x45: {  	_ =	shalt  }
0x46: {  	_ =	shalt  }
0x47: {  	_ =	shalt  }
0x48: {  	_ =	shalt  }
0x49: {  	_ =	shalt  }
0x4a: {  	_ =	shalt  }
0x4b: {  	_ =	shalt  }
0x4c: {  	_ =	shalt  }
0x4d: {  	_ =	shalt  }
0x4e: {  	_ =	shalt  }
0x4f: {  	_ =	shalt  }
0x50: {  	_ =	shalt  }
0x51: {  	_ =	shalt  }
0x52: {  	_ =	shalt  }
0x53: {  	_ =	shalt  }
0x54: {  	_ =	shalt  }
0x55: {  	_ =	shalt  }
0x56: {  	_ =	shalt  }
0x57: {  	_ =	shalt  }
0x58: {  	_ =	shalt  }
0x59: {  	_ =	shalt  }
0x5a: {  	_ =	shalt  }
0x5b: {  	_ =	shalt  }
0x5c: {  	_ =	shalt  }
0x5d: {  	_ =	shalt  }
0x5e: {  	_ =	shalt  }
0x5f: {  	_ =	shalt  }
0x60: {  	_ =	shalt  }
0x61: {  	_ =	shalt  }
0x62: {  	_ =	shalt  }
0x63: {  	_ =	shalt  }
0x64: {  	_ =	shalt  }
0x65: {  	_ =	shalt  }
0x66: {  	_ =	shalt  }
0x67: {  	_ =	shalt  }
0x68: {  	_ =	shalt  }
0x69: {  	_ =	shalt  }
0x6a: {  	_ =	shalt  }
0x6b: {  	_ =	shalt  }
0x6c: {  	_ =	shalt  }
0x6d: {  	_ =	shalt  }
0x6e: {  	_ =	shalt  }
0x6f: {  	_ =	shalt  }
0x70: {  	_ =	shalt  }
0x71: {  	_ =	shalt  }
0x72: {  	_ =	shalt  }
0x73: {  	_ =	shalt  }
0x74: {  	_ =	shalt  }
0x75: {  	_ =	shalt  }
0x76: {  	_ =	shalt  }
0x77: {  	_ =	shalt  }
0x78: {  	_ =	shalt  }
0x79: {  	_ =	shalt  }
0x7a: {  	_ =	shalt  }
0x7b: {  	_ =	shalt  }
0x7c: {  	_ =	shalt  }
0x7d: {  	_ =	shalt  }
0x7e: {  	_ =	shalt  }
0x7f: {  	_ =	shalt  }
0x80: {  	_ =	shalt  }
0x81: {  	_ =	shalt  }
0x82: {  	_ =	shalt  }
0x83: {  	_ =	shalt  }
0x84: {  	_ =	shalt  }
0x85: {  	_ =	shalt  }
0x86: {  	_ =	shalt  }
0x87: {  	_ =	shalt  }
.Lfunc_end0:
.L_simem_size_0:
called_computation.1_lowered:
.L_overlay_start_0:
0x88: {  	s2 =	sld [smem:$0x3FD9]  }
0x89: {  	s3 =	sld [smem:$0x3FFE];
	_ =	sdelay $0x1  }
0x8a: {  	s1 =	srdreg.scid  }
0x8b: {  	s0 =	sand.u32 $0x1, s1  }
0x8c: {  	s17 =	sshll.u32 s0, $0xA;
	s2 =	sadd.s32 s3, s2  }
0x8d: {  	s2 =	sadd.s32 s2, s17  }
0x8e: {  	[smem:$0x3FC6] =	sst s2  }
0x8f: {  	_ = 	snop  }
0x90: {  	s2 =	sld [smem:$0x3FD0];
	(tm) =	ssettm $0x1  }
0x91: {  	s18 =	sld [smem:$0x3FFB];
	_ =	sdelay $0x3  }
0x92: {  	_ =	strace s18  }
0x93: {  	s3 =	sld [smem:$0x3FFC];
	_ =	sdelay $0x3  }
0x94: {  	_ =	strace s3  }
0x95: {  	s3 =	sld [smem:$0x3FFD];
	_ =	sdelay $0x3  }
0x96: {  	_ =	strace s3  }
0x97: {  	_ =	strace $0x8FFFFFFF  }
0x98: {  	s19 =	sld [smem:$0x3FDB];
	_ =	sdelay $0x1  }
0x99: {  	s4 =	simm.s32 $_scs_section_size  }
0x9a: {  	s5 =	simm.s32 $_size__tile_overlayer_lowered;
	s6 =	simm.s32 $_tile_overlayer_lowered  }
0x9b: {  	s22 =	simm.s32 $0x1BFF;
	s21 =	sshll.u32 s6, $0x1;
	s3 =	sadd.s32 s4, s19  }
0x9c: {  	s7 =	simm.s32 $0x0;
	s20 =	sshll.u32 s5, $0x1;
	s5 =	sadd.s32 s21, s3  }
0x9d: {  	[timem:s7], [sflag:s22] =	dma.local [hbm:s5], s20  }
0x9e: {  	_ =	swait.ge [sflag:s22], s20  }
0x9f: {  	s4 =	ssub.s32 $0x0, s20;
	[sflag:s22] =	ssyncset.done $0x0  }
0xa0: {  	[sflag:s22] =	ssyncadd.s32 s4;
	_ =	sdelay $0x1  }
0xa1: {  	s23 =	simm.s32 $0x1B8B  }
0xa2: {  	_ =	swait.ge [sflag:s23], $0x1  }
0xa3: {  	[sflag:s23] =	ssyncset.done $0x0  }
0xa4: {  	s25 =	simm.s32 $0x1B8E;
	s24 =	sld [smem:$0x3FFE];
	[sflag:s23] =	ssyncadd.s32 $0xFFFFFFFF  }
0xa5: {  	s26 =	simm.s32 $execute0_lowered;
	[smem:$0x3FD2] =	sst s25  }
0xa6: {  	s5 =	sshll.u32 s26, $0x1;
	_ =	strace $0x80000046;
	[dreg:$0x1] =	wrdreg $0xFFFFFFFF  }
0xa7: {  	s28 =	simm.s32 $_size_execute0_lowered;
	s3 =	sadd.s32 s3, s5;
	[dreg:$0x0] =	wrdreg $0x0  }
0xa8: {  	s5 =	sshll.u32 s28, $0x1;
	[dreg:$0x2] =	wrdreg s3  }
0xa9: {  	[dreg:$0x3] =	wrdreg s5  }
0xaa: {  	[dreg:$0x4] =	wrdreg $0xC0  }
0xab: {  	_ =	task [dreg:s7], $0x5FFFF  }
0xac: {  	[dreg:$0x1] =	wrdreg $0xFFFFFFFF  }
0xad: {  	[dreg:$0x0] =	wrdreg $0x60  }
0xae: {  	[dreg:$0x2] =	wrdreg s24  }
0xaf: {  	[dreg:$0x3] =	wrdreg s2  }
0xb0: {  	[dreg:$0x4] =	wrdreg $0x9  }
0xb1: {  	_ =	task.clear_ibuf [dreg:s7], $0x5FFFF;
	_ =	strace $0x90000046  }
0xb2: {  	s29 =	simm.s32 $0x9;
	_ =	strace $0x80000048  }
0xb3: {  	_ =	swait.ge [sflag:s29], $0x1  }
0xb4: {  	[sflag:s29] =	ssyncadd.s32 $0xFFFFFFFF  }
0xb5: {  	_ =	strace $0x90000048  }
0xb6: {  	_ =	sfence  }
0xb7: {  	s30 =	sld [smem:$0x0];
	_ =	sdelay $0x2  }
0xb8: {  	s31 =	sshll.u32 s1, $0xD;
	s1 =	sshrl.u32 s1, $0x2  }
0xb9: {  	s3 =	sand.u32 $0x4000, s31;
	s1 =	sadd.s32 s1, s30  }
0xba: {  	s0 =	sor.u32 s3, s0;
	s1 =	sshll.u32 s1, $0x11  }
0xbb: {  	s0 =	sor.u32 s1, s0  }
0xbc: {  	s0 =	sadd.s32 $0x8F2B, s0  }
0xbd: {  	[sflag:s0] =	ssyncadd.remote.s32 $0x1  }
0xbe: {  	_ =	sfence.sel $0xFFFF  }
0xbf: {  	[dreg:$0x0] =	wrdreg $0xFFFFFFFF;
	(pc) =	sbr.abs _section_cstart, $3  }
0xc0: {  	[dreg:$0x1] =	wrdreg $0xFFFFFFFF  }
0xc1: {  	_ =	task.clear_ibuf [dreg:s7], $0x2FFFF;
	_ =	strace $0x9FFFFFFF  }
0xc2: {  	(tm) =	ssettm $0x7FFFFFFF  }
0xc3: {  	_ =	shalt  }
tec
execute0_lowered:
.L_overlay_start_1:
0x0: {  	(tag) =	ssettag $0x1  }
0x1: {  	s1 =	srdreg.scid;
	s3 =	rddreg [dreg:$0x0]  }
0x2: {  	s0 =	stileid.u32;
	s10 =	rddreg [dreg:$0x1];
	s2 =	simm.s32 $0x0  }
0x3: {  	s14 =	simm.s32 $0x3;
	s15 =	simm.s32 $0x100;
	s16 =	simm.s32 $0x6400  }
0x4: {  	s17 =	simm.s32 $0xA400;
	s18 =	simm.s32 $0x200;
	s19 =	simm.s32 $0xE400  }
0x5: {  	s20 =	simm.s32 $0x300;
	s21 =	simm.s32 $0x12400;
	s11 =	smul.u32 $0x320000, s0  }
0x6: {  	s22 =	simm.s32 $0x1;
	s6 =	sand.u32 $0x1, s1;
	s12 =	smul.u32 $0xC800, s0  }
0x7: {  	s23 =	simm.s32 $0x2;
	s28 =	sshll.u32 s0, $0x1;
	s30 =	smul.u32 $0x6400, s6  }
0x8: {  	s24 =	simm.s32 $0x0;
	s4 =	sor.u32 s6, s28;
	s13 =	smul.u32 $0x190000, s6  }
0x9: {  	s1 =	rddreg [dreg:$0x2];
	s8 =	ssub.s32 $0x2, s6;
	s5 =	smul.u32 $0x6400, s4  }
0xa: {  	[smem:$0x7FF] =	sst s2;
	s7 =	smul.u32 $0x190000, s4;
	s29 =	sshrl.u32 s8, $0x1  }
0xb: {  	_ =	strace $0x80000047;
	s9 =	smul.u32 $0x32000, s4;
	s8 =	ssub.s32 s8, s29  }
0xc: {  	s12 =	sadd.s32 s30, s12;
	s11 =	sadd.s32 s13, s11;
	s5 =	sshrl.u32 s5, $0x3  }
0xd: {  	s7 =	sshrl.u32 s7, $0x3;
	s9 =	sadd.s32 s10, s9;
	s12 =	sshll.u32 s12, $0x3  }
0xe: {  	s11 =	sshrl.u32 s11, $0x3;
	s5 =	sadd.s32 s5, s3;
	s3 =	sadd.s32 $0xF42E00, s3  }
0xf: {  	s7 =	sadd.s32 s10, s7;
	s31 =	sadd.s32 s12, s10;
	s10 =	sadd.s32 s11, s10  }
0x10: {  	s4 =	sadd.s32 $0xA00, s5;
	s5 =	smax.u32 s8, $0x1;
	s6 =	sadd.s32 $0x30000, s7  }
0x11: {  	s7 =	sadd.s32 $0x30800, s9;
	s8 =	sadd.s32 $0x31000, s9;
	s9 =	sadd.s32 $0x31800, s9  }
0x12: {  	s11 =	sadd.s32 $0x1800, s31;
	s12 =	sadd.s32 $0x1000, s31;
	s13 =	sadd.s32 $0x800, s31  }
.LBB2_1:
0x13: {  	[tilespmem:s2], [sflag:$0x3] =	stream.linear.gather [hbm4b:s4+s2], $0x6400, $0x38;
	[tilespmem:$0x16400] =	vst v63  }
0x14: {  	_ =	swait.ge [sflag:s14], $0x6400  }
0x15: {  	[sflag:s14] =	ssyncset.done $0x0  }
0x16: {  	[sflag:s14] =	ssyncadd.s32 $0xFFFF9C00  }
0x17: {  	[tilespmem:s16], [sflag:$0x1] =	stream.indirect.gather [hbm4b:s3+s15], $0x40, s2, s15, $0xb8;
	[tilespmem:$0x16400] =	vst v63  }
0x18: {  	_ = 	snop  }
0x19: {  	[tilespmem:s17], [sflag:$0x1] =	stream.indirect.gather [hbm4b:s3+s15], $0x40, s15, s15, $0xb8;
	[tilespmem:$0x16400] =	vst v63  }
0x1a: {  	_ = 	snop  }
0x1b: {  	[tilespmem:s19], [sflag:$0x1] =	stream.indirect.gather [hbm4b:s3+s15], $0x40, s18, s15, $0xb8;
	[tilespmem:$0x16400] =	vst v63  }
0x1c: {  	_ = 	snop  }
0x1d: {  	[tilespmem:s21], [sflag:$0x1] =	stream.indirect.gather [hbm4b:s3+s15], $0x40, s20, s15, $0xb8;
	[tilespmem:$0x16400] =	vst v63  }
0x1e: {  	_ =	swait.ge [sflag:s22], $0x4000  }
0x1f: {  	[sflag:s22] =	ssyncset.done $0x0  }
0x20: {  	s25 =	sadd.s32 $0x0, s10;
	[sflag:s22] =	ssyncadd.s32 $0xFFFFC000  }
0x21: {  	[hbm4b:s25+s2] =	stream.linear.scatter [tilespmem:s16], [sflag:$0x2], $0x4000, $0x38;
	[tilespmem:$0x16400] =	vst v63  }
0x22: {  	_ =	swait.ge [sflag:s23], $0x4000  }
0x23: {  	[sflag:s23] =	ssyncset.done $0x0  }
0x24: {  	s30 =	simm.s32 $0x400;
	[sflag:s23] =	ssyncadd.s32 $0xFFFFC000  }
0x25: {  	[tilespmem:s16], [sflag:$0x1] =	stream.indirect.gather [hbm4b:s3+s15], $0x40, s30, s15, $0xb8;
	[tilespmem:$0x16400] =	vst v63  }
0x26: {  	_ =	swait.ge [sflag:s22], $0x4000  }
0x27: {  	[sflag:s22] =	ssyncset.done $0x0  }
0x28: {  	s31 =	sadd.s32 $0x0, s13;
	[sflag:s22] =	ssyncadd.s32 $0xFFFFC000  }
0x29: {  	[hbm4b:s31+s2] =	stream.linear.scatter [tilespmem:s17], [sflag:$0x2], $0x4000, $0x38;
	[tilespmem:$0x16400] =	vst v63  }
0x2a: {  	_ =	swait.ge [sflag:s23], $0x4000  }
0x2b: {  	[sflag:s23] =	ssyncset.done $0x0  }
0x2c: {  	s26 =	simm.s32 $0x500;
	[sflag:s23] =	ssyncadd.s32 $0xFFFFC000  }
0x2d: {  	[tilespmem:s17], [sflag:$0x1] =	stream.indirect.gather [hbm4b:s3+s15], $0x40, s26, s15, $0xb8;
	[tilespmem:$0x16400] =	vst v63  }
0x2e: {  	_ =	swait.ge [sflag:s22], $0x4000  }
0x2f: {  	[sflag:s22] =	ssyncset.done $0x0  }
0x30: {  	s29 =	sadd.s32 $0x0, s12;
	[sflag:s22] =	ssyncadd.s32 $0xFFFFC000  }
0x31: {  	[hbm4b:s29+s2] =	stream.linear.scatter [tilespmem:s19], [sflag:$0x2], $0x4000, $0x38;
	[tilespmem:$0x16400] =	vst v63  }
0x32: {  	_ =	swait.ge [sflag:s23], $0x4000  }
0x33: {  	[sflag:s23] =	ssyncset.done $0x0  }
0x34: {  	s30 =	simm.s32 $0x600;
	[sflag:s23] =	ssyncadd.s32 $0xFFFFC000  }
0x35: {  	[tilespmem:s19], [sflag:$0x1] =	stream.indirect.gather [hbm4b:s3+s15], $0x40, s30, s15, $0xb8;
	[tilespmem:$0x16400] =	vst v63  }
0x36: {  	_ =	swait.ge [sflag:s22], $0x4000  }
0x37: {  	[sflag:s22] =	ssyncset.done $0x0  }
0x38: {  	s31 =	sadd.s32 $0x0, s11;
	[sflag:s22] =	ssyncadd.s32 $0xFFFFC000  }
0x39: {  	[hbm4b:s31+s2] =	stream.linear.scatter [tilespmem:s21], [sflag:$0x2], $0x4000, $0x38;
	[tilespmem:$0x16400] =	vst v63  }
0x3a: {  	_ =	swait.ge [sflag:s23], $0x4000  }
0x3b: {  	s28 =	simm.s32 $0xB00;
	[sflag:s23] =	ssyncset.done $0x0  }
0x3c: {  	s25 =	simm.s32 $0x700;
	s26 =	simm.s32 $0x2000;
	[sflag:s23] =	ssyncadd.s32 $0xFFFFC000  }
.LBB2_2:
0x3d: {  	[tilespmem:s21], [sflag:$0x1] =	stream.indirect.gather [hbm4b:s3+s15], $0x40, s25, s15, $0xb8;
	[tilespmem:$0x16400] =	vst v63  }
0x3e: {  	s29 =	smov.u32 s26;
	s25 =	smov.u32 s28  }
0x3f: {  	p0 =	sne.s32 s26, $0x2E000;
	s26 =	sadd.s32 $0x2000, s26;
	_ =	swait.ge [sflag:s22], $0x4000  }
0x40: {  	[sflag:s22] =	ssyncset.done $0x0  }
0x41: {  	s30 =	sadd.s32 s29, s10;
	[sflag:s22] =	ssyncadd.s32 $0xFFFFC000  }
0x42: {  	[hbm4b:s30+s2] =	stream.linear.scatter [tilespmem:s16], [sflag:$0x2], $0x4000, $0x38;
	[tilespmem:$0x16400] =	vst v63  }
0x43: {  	_ =	swait.ge [sflag:s23], $0x4000  }
0x44: {  	[sflag:s23] =	ssyncset.done $0x0  }
0x45: {  	s30 =	sadd.s32 $0xFFFFFD00, s28;
	[sflag:s23] =	ssyncadd.s32 $0xFFFFC000  }
0x46: {  	[tilespmem:s16], [sflag:$0x1] =	stream.indirect.gather [hbm4b:s3+s15], $0x40, s30, s15, $0xb8;
	[tilespmem:$0x16400] =	vst v63  }
0x47: {  	_ =	swait.ge [sflag:s22], $0x4000  }
0x48: {  	[sflag:s22] =	ssyncset.done $0x0  }
0x49: {  	s30 =	sadd.s32 s29, s13;
	[sflag:s22] =	ssyncadd.s32 $0xFFFFC000  }
0x4a: {  	[hbm4b:s30+s2] =	stream.linear.scatter [tilespmem:s17], [sflag:$0x2], $0x4000, $0x38;
	[tilespmem:$0x16400] =	vst v63  }
0x4b: {  	_ =	swait.ge [sflag:s23], $0x4000  }
0x4c: {  	[sflag:s23] =	ssyncset.done $0x0  }
0x4d: {  	s30 =	sadd.s32 $0xFFFFFE00, s28;
	[sflag:s23] =	ssyncadd.s32 $0xFFFFC000  }
0x4e: {  	[tilespmem:s17], [sflag:$0x1] =	stream.indirect.gather [hbm4b:s3+s15], $0x40, s30, s15, $0xb8;
	[tilespmem:$0x16400] =	vst v63  }
0x4f: {  	_ =	swait.ge [sflag:s22], $0x4000  }
0x50: {  	[sflag:s22] =	ssyncset.done $0x0  }
0x51: {  	s30 =	sadd.s32 s29, s12;
	[sflag:s22] =	ssyncadd.s32 $0xFFFFC000  }
0x52: {  	[hbm4b:s30+s2] =	stream.linear.scatter [tilespmem:s19], [sflag:$0x2], $0x4000, $0x38;
	[tilespmem:$0x16400] =	vst v63  }
0x53: {  	_ =	swait.ge [sflag:s23], $0x4000  }
0x54: {  	[sflag:s23] =	ssyncset.done $0x0  }
0x55: {  	s30 =	sadd.s32 $0xFFFFFF00, s28;
	[sflag:s23] =	ssyncadd.s32 $0xFFFFC000  }
0x56: {  	[tilespmem:s19], [sflag:$0x1] =	stream.indirect.gather [hbm4b:s3+s15], $0x40, s30, s15, $0xb8;
	[tilespmem:$0x16400] =	vst v63  }
0x57: {  	_ =	swait.ge [sflag:s22], $0x4000  }
0x58: {  	[sflag:s22] =	ssyncset.done $0x0  }
.Ltmp0:
0x59: {  	s29 =	sadd.s32 s29, s11;
	[sflag:s22] =	ssyncadd.s32 $0xFFFFC000;
	(pc) =	sbr.rel @p0 .LBB2_2-.Ltmp0, $4  }
0x5a: {  	[hbm4b:s29+s2] =	stream.linear.scatter [tilespmem:s21], [sflag:$0x2], $0x4000, $0x38;
	[tilespmem:$0x16400] =	vst v63  }
0x5b: {  	_ =	swait.ge [sflag:s23], $0x4000  }
0x5c: {  	[sflag:s23] =	ssyncset.done $0x0  }
0x5d: {  	s28 =	sadd.s32 $0x400, s28;
	[sflag:s23] =	ssyncadd.s32 $0xFFFFC000  }
0x5e: {  	[tilespmem:s21], [sflag:$0x1] =	stream.indirect.gather [hbm4b:s3+s15], $0x40, s25, s15, $0xb8;
	[tilespmem:$0x16400] =	vst v63  }
0x5f: {  	_ =	swait.ge [sflag:s22], $0x4000  }
0x60: {  	[sflag:s22] =	ssyncset.done $0x0  }
0x61: {  	[sflag:s22] =	ssyncadd.s32 $0xFFFFC000  }
0x62: {  	[hbm4b:s6+s2] =	stream.linear.scatter [tilespmem:s16], [sflag:$0x2], $0x4000, $0x38;
	[tilespmem:$0x16400] =	vst v63  }
0x63: {  	_ =	swait.ge [sflag:s23], $0x4000  }
0x64: {  	[sflag:s23] =	ssyncset.done $0x0  }
0x65: {  	[sflag:s23] =	ssyncadd.s32 $0xFFFFC000  }
0x66: {  	_ =	swait.ge [sflag:s22], $0x4000  }
0x67: {  	[sflag:s22] =	ssyncset.done $0x0  }
0x68: {  	[sflag:s22] =	ssyncadd.s32 $0xFFFFC000  }
0x69: {  	[hbm4b:s7+s2] =	stream.linear.scatter [tilespmem:s17], [sflag:$0x2], $0x4000, $0x38;
	[tilespmem:$0x16400] =	vst v63  }
0x6a: {  	_ =	swait.ge [sflag:s23], $0x4000  }
0x6b: {  	[sflag:s23] =	ssyncset.done $0x0  }
0x6c: {  	[sflag:s23] =	ssyncadd.s32 $0xFFFFC000  }
0x6d: {  	_ =	swait.ge [sflag:s22], $0x4000  }
0x6e: {  	[sflag:s22] =	ssyncset.done $0x0  }
0x6f: {  	[sflag:s22] =	ssyncadd.s32 $0xFFFFC000  }
0x70: {  	[hbm4b:s8+s2] =	stream.linear.scatter [tilespmem:s19], [sflag:$0x2], $0x4000, $0x38;
	[tilespmem:$0x16400] =	vst v63  }
0x71: {  	_ =	swait.ge [sflag:s23], $0x4000  }
0x72: {  	[sflag:s23] =	ssyncset.done $0x0  }
0x73: {  	[sflag:s23] =	ssyncadd.s32 $0xFFFFC000  }
0x74: {  	s24 =	sadd.s32 $0x1, s24;
	_ =	swait.ge [sflag:s22], $0x4000  }
0x75: {  	p0 =	sne.s32 s24, s5;
	[sflag:s22] =	ssyncset.done $0x0  }
.Ltmp1:
0x76: {  	[sflag:s22] =	ssyncadd.s32 $0xFFFFC000;
	(pc) =	sbr.rel @p0 .LBB2_1-.Ltmp1, $4  }
0x77: {  	[hbm4b:s9+s2] =	stream.linear.scatter [tilespmem:s21], [sflag:$0x2], $0x4000, $0x38;
	[tilespmem:$0x16400] =	vst v63  }
0x78: {  	_ =	swait.ge [sflag:s23], $0x4000  }
0x79: {  	[sflag:s23] =	ssyncset.done $0x0  }
0x7a: {  	[sflag:s23] =	ssyncadd.s32 $0xFFFFC000  }
0x7b: {  	_ =	sfence.sel $0x180000  }
0x7c: {  	[bflag:$0x0] =	sbarrier.arrive $0xFFFF  }
0x7d: {  	p0 =	sne.s32 s0, $0x0;
	_ =	strace $0x90000047  }
0x7e: {  	s0 =	sadd.s32 @!p0 $0x100000, s1;
	[bflag:$0x2] =	sbarrier.arrive $0xFFFF  }
0x7f: {  	[sflag:s0] =	ssyncadd.tile.s32 @!p0 $0x1;
	_ =	shalt  }
.Lfunc_end2:
_tile_overlayer_lowered:
.L_overlay_start_2:
0x80: {  	(tag) =	ssettag $0x2  }
0x81: {  	s0 =	rddreg [dreg:$0x0];
	s2 =	stileid.u32  }
0x82: {  	s1 =	rddreg [dreg:$0x1];
	p0 =	sne.s32 s2, $0x0  }
0x83: {  	s3 =	rddreg [dreg:$0x2];
	[bflag:$0x3] =	sbarrier.arrive $0xFFFF;
	s2 =	simm.s32 @!p0 $0x1C03  }
0x84: {  	[timem:s3], [sflag:s2] =	dma.local @!p0 [hbm:s0], s1  }
0x85: {  	s0 =	simm.s32 @!p0 $0x3  }
0x86: {  	_ =	swait.ge @!p0 [sflag:s0], s1  }
0x87: {  	s1 =	ssub.s32 @!p0 $0x0, s1;
	[sflag:s0] =	ssyncset.done @!p0 $0x0  }
0x88: {  	[sflag:s0] =	ssyncadd.s32 @!p0 s1  }
0x89: {  	[bflag:$0x3] =	sbarrier.arrive $0xFFFF  }
0x8a: {  	_ =	shalt  }

// kernel: sparse-core-data-format-call.cloned.1.call-start
scs
called_computation_lowered:
.L_overlay_start_0:
0x0: {  	s2 =	sld [smem:$0x3FD9]  }
0x1: {  	s3 =	sld [smem:$0x3FFE];
	_ =	sdelay $0x1  }
0x2: {  	s1 =	srdreg.scid  }
0x3: {  	s0 =	sand.u32 $0x1, s1  }
0x4: {  	s18 =	sshll.u32 s0, $0xA;
	s2 =	sadd.s32 s3, s2  }
0x5: {  	s2 =	sadd.s32 s2, s18  }
0x6: {  	[smem:$0x3FC6] =	sst s2  }
0x7: {  	_ = 	snop  }
0x8: {  	s2 =	sld [smem:$0x3FD0];
	(tm) =	ssettm $0x1  }
0x9: {  	s19 =	sld [smem:$0x3FFB];
	_ =	sdelay $0x3  }
0xa: {  	_ =	strace s19  }
0xb: {  	s3 =	sld [smem:$0x3FFC];
	_ =	sdelay $0x3  }
0xc: {  	_ =	strace s3  }
0xd: {  	s3 =	sld [smem:$0x3FFD];
	_ =	sdelay $0x3  }
0xe: {  	_ =	strace s3  }
0xf: {  	_ =	strace $0x8FFFFFFF  }
0x10: {  	s20 =	sld [smem:$0x3FDB];
	_ =	sdelay $0x1  }
0x11: {  	s4 =	simm.s32 $_scs_section_size  }
0x12: {  	s5 =	simm.s32 $_size__tile_overlayer_lowered;
	s6 =	simm.s32 $_tile_overlayer_lowered  }
0x13: {  	s23 =	simm.s32 $0x1BFF;
	s22 =	sshll.u32 s6, $0x1;
	s3 =	sadd.s32 s4, s20  }
0x14: {  	s7 =	simm.s32 $0x0;
	s21 =	sshll.u32 s5, $0x1;
	s5 =	sadd.s32 s22, s3  }
0x15: {  	[timem:s7], [sflag:s23] =	dma.local [hbm:s5], s21  }
0x16: {  	_ =	swait.ge [sflag:s23], s21  }
0x17: {  	s4 =	ssub.s32 $0x0, s21;
	[sflag:s23] =	ssyncset.done $0x0  }
0x18: {  	[sflag:s23] =	ssyncadd.s32 s4;
	_ =	sdelay $0x1  }
0x19: {  	s24 =	simm.s32 $0x1B8B  }
0x1a: {  	_ =	swait.ge [sflag:s24], $0x1  }
0x1b: {  	[sflag:s24] =	ssyncset.done $0x0  }
0x1c: {  	s26 =	simm.s32 $0x1B8E;
	s25 =	sld [smem:$0x3FFE];
	[sflag:s24] =	ssyncadd.s32 $0xFFFFFFFF  }
0x1d: {  	s27 =	simm.s32 $execute0_lowered;
	[smem:$0x3FD2] =	sst s26  }
0x1e: {  	s5 =	sshll.u32 s27, $0x1;
	_ =	strace $0x80000049;
	[dreg:$0x1] =	wrdreg $0xFFFFFFFF  }
0x1f: {  	s28 =	simm.s32 $_size_execute0_lowered;
	s3 =	sadd.s32 s3, s5;
	[dreg:$0x0] =	wrdreg $0x0  }
0x20: {  	s5 =	sshll.u32 s28, $0x1;
	[dreg:$0x2] =	wrdreg s3  }
0x21: {  	[dreg:$0x3] =	wrdreg s5  }
0x22: {  	[dreg:$0x4] =	wrdreg $0xC0  }
0x23: {  	_ =	task [dreg:s7], $0x5FFFF  }
0x24: {  	[dreg:$0x1] =	wrdreg $0xFFFFFFFF  }
0x25: {  	[dreg:$0x0] =	wrdreg $0x60  }
0x26: {  	[dreg:$0x2] =	wrdreg s25  }
0x27: {  	[dreg:$0x3] =	wrdreg s2  }
0x28: {  	[dreg:$0x4] =	wrdreg $0x9  }
0x29: {  	_ =	task.clear_ibuf [dreg:s7], $0x5FFFF;
	_ =	strace $0x90000049  }
0x2a: {  	s29 =	simm.s32 $0x9;
	_ =	strace $0x8000004B  }
0x2b: {  	_ =	swait.ge [sflag:s29], $0x1  }
0x2c: {  	[sflag:s29] =	ssyncadd.s32 $0xFFFFFFFF  }
0x2d: {  	_ =	strace $0x9000004B  }
0x2e: {  	_ =	sfence  }
0x2f: {  	s30 =	sld [smem:$0x0];
	_ =	sdelay $0x2  }
0x30: {  	s31 =	sshll.u32 s1, $0xD;
	s1 =	sshrl.u32 s1, $0x2  }
0x31: {  	s3 =	sand.u32 $0x4000, s31;
	s1 =	sadd.s32 s1, s30  }
0x32: {  	s0 =	sor.u32 s3, s0;
	s1 =	sshll.u32 s1, $0x11  }
0x33: {  	s0 =	sor.u32 s1, s0  }
0x34: {  	s0 =	sadd.s32 $0x8F2B, s0  }
0x35: {  	[sflag:s0] =	ssyncadd.remote.s32 $0x1  }
0x36: {  	_ =	sfence.sel $0xFFFF  }
0x37: {  	[dreg:$0x0] =	wrdreg $0xFFFFFFFF;
	(pc) =	sbr.abs _section_cstart, $3  }
0x38: {  	[dreg:$0x1] =	wrdreg $0xFFFFFFFF  }
0x39: {  	_ =	task.clear_ibuf [dreg:s7], $0x2FFFF;
	_ =	strace $0x9FFFFFFF  }
0x3a: {  	(tm) =	ssettm $0x7FFFFFFF  }
0x3b: {  	_ =	shalt  }
tec
execute0_lowered:
.L_overlay_start_1:
0x0: {  	(tag) =	ssettag $0x1  }
0x1: {  	s0 =	srdreg.scid  }
0x2: {  	s1 =	sshll.u32 s0, $0x4  }
0x3: {  	s0 =	stileid.u32;
	s1 =	sand.u32 $0x10, s1  }
0x4: {  	s1 =	sor.u32 s0, s1  }
0x5: {  	s6 =	rddreg [dreg:$0x0];
	s4 =	simm.s32 $0x1;
	s2 =	sshll.u32 s1, $0x7  }
0x6: {  	s7 =	simm.s32 $0x2;
	s12 =	simm.s32 $0x0;
	s1 =	ssub.s32 $0x1000, s2  }
0x7: {  	s8 =	simm.s32 $0x8000;
	s13 =	simm.s32 $0x0;
	s3 =	sand.u32 $0xF80, s1  }
0x8: {  	s9 =	simm.s32 $0x0;
	s5 =	sshrl.u32 s1, $0xC;
	p0 =	sne.s32 s3, $0x0  }
.Ltmp0:
0x9: {  	s1 =	rddreg [dreg:$0x2];
	s4 =	simm.s32 @!p0 $0x0;
	(pc) =	sbr.rel .LBB1_1-.Ltmp0, $4  }
0xa: {  	s11 =	simm.s32 $0x0;
	s3 =	rddreg [dreg:$0x1];
	s5 =	sadd.s32 s4, s5  }
0xb: {  	_ =	strace $0x8000004A;
	s4 =	simm.s32 $0x1;
	s5 =	smul.u32 $0xC8, s5  }
0xc: {  	s6 =	sadd.s32 $0xA00, s6;
	s10 =	smov.u32 s2;
	[sflag:s4] =	ssyncpa.u1 $0x0  }
0xd: {  	p0 =	por $0x0, $0x0;
	[sflag:s7] =	ssyncpa.u1 $0x0;
	s7 =	sor.u32 $0x1, s5  }
.LBB1_4:
0xe: {  	s16 =	sshll.u32 s13, $0x3;
	s17 =	sand.u32 $0x78, s13  }
0xf: {  	s30 =	sand.u32 $0x7E00, s13;
	s12 =	sshll.u32 s12, $0xF;
	s16 =	sand.u32 $0xC00, s16  }
0x10: {  	[tilespmem:s15+$0x810 ss:$0x81] =	vst.msk $0xffff, v2;
	s31 =	sand.u32 $0x7, s13;
	s16 =	sor.u32 s17, s16;
	s17 =	sadd.s32 s3, s30  }
0x11: {  	[tilespmem:s15+$0x1020 ss:$0x81] =	vst.msk $0xffff, v0;
	s13 =	sshll.u32 s31, $0x12;
	s12 =	sadd.s32 s12, s17;
	s16 =	sshrl.u32 s16, $0x3  }
0x12: {  	[tilespmem:s15+$0x0 ss:$0x81] =	vst.msk $0xffff, v1;
	s13 =	sor.u32 $0x400, s13;
	s12 =	sadd.s32 s16, s12  }
0x13: {  	[hbm4b:s12+s13] =	stream.strided.scatter [tilespmem:s14], [sflag:$0x2], $0x2000, s8, s13, $0x20;
	[tilespmem:$0x8080] =	vst v63  }
.LBB1_5:
0x14: {  	s14 =	sadd.s32 $0x1, s9  }
0x15: {  	s12 =	sadd.s32 $0x1000, s10;
	s16 =	smov.u32 s10;
	p2 =	sgt.s32 s14, $0xC7  }
0x16: {  	s16 =	smov.u32 @p2 s12  }
0x17: {  	s14 =	simm.s32 @p2 $0x0;
	p2 =	sgt.s32 s16, $0xFFF  }
0x18: {  	s16 =	smov.u32 @p2 s2;
	p2 =	sne.s32 s11, s7  }
.Ltmp1:
0x19: {  	p1 =	slt.u32 s11, $0x2;
	(pc) =	sbr.rel @!p2 .LBB1_6-.Ltmp1, $4  }
0x1a: {  	s15 =	simm.s32 @!p1 $0x2  }
0x1b: {  	s13 =	smov.u32 s10;
	p0 =	por !p0, !p0;
	_ =	swait.ge @!p1 [sflag:s15], $0x2000  }
0x1c: {  	s12 =	smov.u32 s9;
	[sflag:s15] =	ssyncset.done @!p1 $0x0;
	s9 =	smov.u32 s14  }
0x1d: {  	s11 =	sadd.s32 $0x1, s11;
	[sflag:s15] =	ssyncadd.s32 @!p1 $0xFFFFE000;
	s10 =	smov.u32 s16  }
.LBB1_1:
0x1e: {  	p1 =	sge.u32 s11, s5  }
0x1f: {  	s14 =	sand.u32 @!p1 $0x1FFFFFF, s9  }
0x20: {  	s15 =	smulhi.u32 @!p1 $0x147AE15, s14;
	_ =	sdelay $0x1  }
0x21: {  	s15 =	smul.u32 @!p1 $0xC8, s15  }
0x22: {  	s16 =	sxor.u32 @!p1 $0xFFFFFFFF, s11;
	s17 =	smul.u32 @!p1 $0xC80, s10  }
0x23: {  	s31 =	sadd.s32 $0xFFFFFFFF, s11;
	s16 =	sshll.u32 @!p1 s16, $0xD;
	s14 =	ssub.s32 @!p1 s14, s15  }
0x24: {  	s15 =	sand.u32 @!p1 $0x2000, s16;
	s16 =	sadd.s32 @!p1 s6, s17;
	s14 =	sshll.u32 @!p1 s14, $0x4  }
0x25: {  	s17 =	simm.s32 @!p1 $0x6400;
	s14 =	sadd.s32 @!p1 s14, s16;
	s16 =	simm.s32 @!p1 $0x40  }
0x26: {  	[tilespmem:s15], [sflag:$0x1] =	stream.strided.gather @!p1 [hbm4b:s14+s16], $0x2000, s17, s16, $0x38;
	[tilespmem:$0x8080] =	vst v63  }
0x27: {  	p1 =	sge.u32 s31, s5  }
.Ltmp2:
0x28: {  	_ = 	snop;
	(pc) =	sbr.rel @p1 .LBB1_5-.Ltmp2, $1  }
0x29: {  	_ =	sdelay $0x3  }
0x2a: {  	s14 =	simm.s32 $0x1  }
0x2b: {  	_ =	swait.ge [sflag:s4], $0x2000;
	s14 =	simm.s32 @!p0 $0x0  }
0x2c: {  	[sflag:s4] =	ssyncset.done $0x0;
	s15 =	sshll.u32 s14, $0xD  }
0x2d: {  	[sflag:s4] =	ssyncadd.s32 $0xFFFFE000;
	s18 =	sor.u32 $0x20, s15  }
0x2e: {  	s14 =	smul.u32 $0x8100, s14;
	v3 =	vld [tilespmem:s18+$0x10]  }
0x2f: {  	s30 =	sand.u32 $0x1, s11;
	v2 =	vld [tilespmem:s18+$0xFFFFFFF0]  }
0x30: {  	s15 =	smul.u32 $0x8100, s30;
	s14 =	sshrl.u32 s14, $0x2;
	v0 =	vld [tilespmem:s18+$0x0]  }
0x31: {  	v1 =	vld [tilespmem:s18+$0xFFFFFFE0];
	s16 =	sor.u32 $0x4000, s14  }
0x32: {  	s31 =	sshrl.u32 s15, $0x2;
	s15 =	sadd.s32 $0x0, s16  }
0x33: {  	s17 =	simm.s32 $0x4;
	s18 =	sadd.s32 $0x40, s18;
	s14 =	sor.u32 $0x4000, s31;
	[tilespmem:s15+$0x1830 ss:$0x81] =	vst.msk $0xffff, v3  }
.LBB1_3:
0x34: {  	v3 =	vld [tilespmem:s18+$0x10];
	p1 =	sne.s32 s17, $0x1FC;
	[tilespmem:s15+$0x810 ss:$0x81] =	vst.msk $0xffff, v2;
	s19 =	smov.u32 s17;
	s17 =	sadd.s32 $0x4, s17  }
.Ltmp3:
0x35: {  	v2 =	vld [tilespmem:s18+$0xFFFFFFF0];
	[tilespmem:s15+$0x1020 ss:$0x81] =	vst.msk $0xffff, v0;
	(pc) =	sbr.rel @p1 .LBB1_3-.Ltmp3, $4  }
0x36: {  	v0 =	vld [tilespmem:s18+$0x0];
	[tilespmem:s15+$0x0 ss:$0x81] =	vst.msk $0xffff, v1  }
0x37: {  	s15 =	sshra.s32 s19, $0x2;
	v1 =	vld [tilespmem:s18+$0xFFFFFFE0]  }
0x38: {  	s15 =	sadd.s32 s15, s16  }
0x39: {  	s18 =	sadd.s32 $0x40, s18;
	[tilespmem:s15+$0x1830 ss:$0x81] =	vst.msk $0xffff, v3  }
.Ltmp4:
0x3a: {  	_ = 	snop;
	(pc) =	sbr.rel .LBB1_4-.Ltmp4, $1  }
0x3b: {  	_ =	sdelay $0x3  }
.LBB1_6:
0x3c: {  	_ =	sfence.sel $0x180000  }
0x3d: {  	s2 =	simm.s32 $0x1;
	[bflag:$0x0] =	sbarrier.arrive $0xFFFF  }
0x3e: {  	s31 =	simm.s32 $0x2;
	[sflag:s2] =	ssyncpa.u1 $0x1  }
0x3f: {  	[sflag:s31] =	ssyncpa.u1 $0x1  }
0x40: {  	p0 =	sne.s32 s0, $0x0;
	_ =	strace $0x9000004A  }
0x41: {  	s0 =	sadd.s32 @!p0 $0x100000, s1;
	[bflag:$0x2] =	sbarrier.arrive $0xFFFF  }
0x42: {  	[sflag:s0] =	ssyncadd.tile.s32 @!p0 $0x1;
	_ =	shalt  }
.Lfunc_end1:
_tile_overlayer_lowered:
.L_overlay_start_2:
0x43: {  	(tag) =	ssettag $0x2  }
0x44: {  	s0 =	rddreg [dreg:$0x0];
	s2 =	stileid.u32  }
0x45: {  	s1 =	rddreg [dreg:$0x1];
	p0 =	sne.s32 s2, $0x0  }
0x46: {  	s3 =	rddreg [dreg:$0x2];
	[bflag:$0x3] =	sbarrier.arrive $0xFFFF;
	s2 =	simm.s32 @!p0 $0x1C01  }
0x47: {  	[timem:s3], [sflag:s2] =	dma.local @!p0 [hbm:s0], s1  }
0x48: {  	s0 =	simm.s32 @!p0 $0x1  }
0x49: {  	_ =	swait.ge @!p0 [sflag:s0], s1  }
0x4a: {  	s1 =	ssub.s32 @!p0 $0x0, s1;
	[sflag:s0] =	ssyncset.done @!p0 $0x0  }
0x4b: {  	[sflag:s0] =	ssyncadd.s32 @!p0 s1  }
0x4c: {  	[bflag:$0x3] =	sbarrier.arrive $0xFFFF  }
0x4d: {  	_ =	shalt  }

</sc_bundles>
